<compile_context>
chip_gen: v7x
topology: tpu7x:2x2x1
jax: 0.10.2.dev20260603
libtpu: 0.0.44.dev20260713+nightly
codegen_flags: <defaults>
</compile_context>

<pallas_src>
import functools

import jax
import jax.numpy as jnp
from jax import lax
from jax.experimental import pallas as pl
from jax.experimental.pallas import tpu as pltpu
from jax.experimental.pallas import tpu_sc as plsc

NC = 2
NS = 16
NW = NC * NS
LANES = 16
CHUNK = 32
NBUF = 3


def _build_gather(B, S, D, K):
    N = B * K
    rows_pw = N // NW
    jpw = rows_pw // CHUNK
    workers_per_batch = NW // B
    kpw = K // workers_per_batch

    mesh = plsc.VectorSubcoreMesh(core_axis_name="c", subcore_axis_name="s")

    @functools.partial(
        pl.kernel,
        out_type=[
            jax.ShapeDtypeStruct((B, K, D), jnp.float32),
            jax.ShapeDtypeStruct((B, K, D), jnp.float32),
            jax.ShapeDtypeStruct((B, K), jnp.int32),
        ],
        mesh=mesh,
        scratch_types=(
            [
                pltpu.VMEM((rows_pw,), jnp.int32),
                pltpu.VMEM((rows_pw,), jnp.int32),
                pltpu.VMEM((rows_pw,), jnp.int32),
            ]
            + [pltpu.VMEM((CHUNK, D), jnp.float32) for _ in range(NBUF)]
            + [pltpu.SemaphoreType.DMA for _ in range(2 * NBUF)]
        ),
    )
    def gather_kernel(student_hbm, teacher_hbm, a_idx_hbm, b_idx_hbm,
                      b_out, a_out, mask_out, a_iv, b_iv, m_v,
                      *bufs_and_sems):
        bufs = bufs_and_sems[:NBUF]
        gsems = bufs_and_sems[NBUF:2 * NBUF]
        wsems = bufs_and_sems[2 * NBUF:]

        cid = lax.axis_index("c")
        sid = lax.axis_index("s")
        wid = sid * NC + cid
        batch = wid // workers_per_batch
        k0 = (wid % workers_per_batch) * kpw
        pltpu.sync_copy(a_idx_hbm.at[batch, pl.ds(k0, kpw)], a_iv)
        pltpu.sync_copy(b_idx_hbm.at[batch, pl.ds(k0, kpw)], b_iv)
        zero = jnp.zeros((LANES,), jnp.int32)
        one = jnp.ones((LANES,), jnp.int32)
        for t in range(rows_pw // LANES):
            sl = pl.ds(t * LANES, LANES)
            m_v[sl] = jnp.where(a_iv[sl] > zero, one, zero)
        pltpu.sync_copy(m_v, mask_out.at[batch, pl.ds(k0, kpw)])

        jobs = [(teacher_hbm, a_iv, a_out, j) for j in range(jpw)]
        jobs += [(student_hbm, b_iv, b_out, j) for j in range(jpw)]
        nj = len(jobs)

        def start_gather(i):
            table, iv, _, j = jobs[i]
            return pltpu.async_copy(
                table.at[batch].at[iv.at[pl.ds(j * CHUNK, CHUNK)]],
                bufs[i % NBUF], gsems[i % NBUF])

        gh = [None] * nj
        wh = [None] * nj
        for i in range(min(NBUF, nj)):
            gh[i] = start_gather(i)
        for i in range(nj):
            gh[i].wait()
            _, _, out, j = jobs[i]
            wh[i] = pltpu.async_copy(
                bufs[i % NBUF],
                out.at[batch, pl.ds(k0 + j * CHUNK, CHUNK)],
                wsems[i % NBUF])
            nxt = i + NBUF
            if nxt < nj:
                wh[i].wait()
                gh[nxt] = start_gather(nxt)
        for i in range(max(0, nj - NBUF), nj):
            wh[i].wait()

    return gather_kernel


def kernel(student_results, teacher_results, a_selected_indices,
           b_selected_indices):
    B, S, D = student_results.shape
    K = a_selected_indices.shape[1]
    a_idx = a_selected_indices.astype(jnp.int32)
    b_idx = b_selected_indices.astype(jnp.int32)
    b_rows, a_rows, mask_i32 = _build_gather(B, S, D, K)(
        student_results, teacher_results, a_idx, b_idx)
    return (b_rows, a_rows, mask_i32.astype(jnp.bool_))

# --- scband reference (transcript-rebuilt; emitter-appended) ---
"""Pipeline reference for scband-select-index-module-84980222919225 (READ-ONLY COPY).

The authoritative reference and input builder live on the scoring server;
editing this copy changes nothing except your own understanding.
"""

import jax, jax.numpy as jnp
import numpy as np

B, S, D, K = 4, 4096, 1024, 1024

def setup_inputs(seed: int = 0) -> dict:
    key = jax.random.key(seed)
    k1, k2, k3, k4 = jax.random.split(key, 4)
    return {
        "student_results": jax.random.normal(k1, (B, S, D), dtype=jnp.float32),
        "teacher_results": jax.random.normal(k2, (B, S, D), dtype=jnp.float32),
        "a_selected_indices": jax.random.randint(k3, (B, K), 0, S, dtype=jnp.int64),
        "b_selected_indices": jax.random.randint(k4, (B, K), 0, S, dtype=jnp.int64),
    }

def batched_index_select(t, idx):
    # t: [B, S, D], idx: [B, K] -> [B, K, D]; equivalent to torch.gather along dim 1
    return jnp.take_along_axis(t, idx[:, :, None], axis=1)

def reference(student_results, teacher_results, a_selected_indices, b_selected_indices):
    selected_indices_mask = a_selected_indices > 0
    a_selected_features = batched_index_select(teacher_results, a_selected_indices)
    b_selected_features = batched_index_select(student_results, b_selected_indices)
    return (b_selected_features, a_selected_features, selected_indices_mask)

if __name__ == "__main__":
    import jax
    _d = setup_inputs()
    print(jax.jit(kernel)(*tuple(_d.values())))

</pallas_src>

<mosaic_0001>
#map = affine_map<(d0, d1) -> (0, 0, 0)>
#map1 = affine_map<(d0, d1) -> (0, 0)>
module attributes {stable_mosaic.version = 14 : i64} {
  func.func @gather_kernel(%arg0: i32, %arg1: i32, %arg2: memref<4x4096x1024xf32, #tpu.memory_space<hbm>>, %arg3: memref<4x4096x1024xf32, #tpu.memory_space<hbm>>, %arg4: memref<4x1024xi32, #tpu.memory_space<hbm>>, %arg5: memref<4x1024xi32, #tpu.memory_space<hbm>>, %arg6: memref<4x1024x1024xf32, #tpu.memory_space<hbm>>, %arg7: memref<4x1024x1024xf32, #tpu.memory_space<hbm>>, %arg8: memref<4x1024xi32, #tpu.memory_space<hbm>>, %arg9: memref<128xi32, #tpu.memory_space<vmem>>, %arg10: memref<128xi32, #tpu.memory_space<vmem>>, %arg11: memref<128xi32, #tpu.memory_space<vmem>>, %arg12: memref<32x1024xf32, #tpu.memory_space<vmem>>, %arg13: memref<32x1024xf32, #tpu.memory_space<vmem>>, %arg14: memref<32x1024xf32, #tpu.memory_space<vmem>>, %arg15: memref<!tpu.dma_semaphore, #tpu.memory_space<semaphore_mem>>, %arg16: memref<!tpu.dma_semaphore, #tpu.memory_space<semaphore_mem>>, %arg17: memref<!tpu.dma_semaphore, #tpu.memory_space<semaphore_mem>>, %arg18: memref<!tpu.dma_semaphore, #tpu.memory_space<semaphore_mem>>, %arg19: memref<!tpu.dma_semaphore, #tpu.memory_space<semaphore_mem>>, %arg20: memref<!tpu.dma_semaphore, #tpu.memory_space<semaphore_mem>>) attributes {dimension_semantics = [#tpu.dimension_semantics<core_parallel>, #tpu.dimension_semantics<subcore_parallel>], iteration_bounds = array<i64: 2, 16>, scalar_prefetch = 0 : i64, scratch_operands = 12 : i64, tpu.core_type = #tpu.core_type<sc_vector_subcore>, window_params = [{transform_indices = #map}, {transform_indices = #map}, {transform_indices = #map1}, {transform_indices = #map1}, {transform_indices = #map}, {transform_indices = #map}, {transform_indices = #map1}]} {
    %mul3A = arith.constant 2 : i32
    %mul3A_0 = arith.muli %arg1, %mul3A : i32
    %add3A = arith.addi %mul3A_0, %arg0 : i32
    %jit3A = arith.constant 8 : i32
    %div3A = arith.divsi %add3A, %jit3A : i32
    %sign3A = arith.constant 0 : i32
    %sign3A_1 = arith.cmpi sgt, %add3A, %sign3A : i32
    %sign3A_2 = arith.extui %sign3A_1 : i1 to i32
    %sign3A_3 = arith.constant 0 : i32
    %sign3A_4 = arith.cmpi slt, %add3A, %sign3A_3 : i32
    %sign3A_5 = arith.extui %sign3A_4 : i1 to i32
    %sign3A_6 = arith.subi %sign3A_2, %sign3A_5 : i32
    %sign3A_7 = arith.constant 0 : i32
    %sign3A_8 = arith.cmpi sgt, %jit3A, %sign3A_7 : i32
    %sign3A_9 = arith.extui %sign3A_8 : i1 to i32
    %sign3A_10 = arith.constant 0 : i32
    %sign3A_11 = arith.cmpi slt, %jit3A, %sign3A_10 : i32
    %sign3A_12 = arith.extui %sign3A_11 : i1 to i32
    %sign3A_13 = arith.subi %sign3A_9, %sign3A_12 : i32
    %ne3A = arith.cmpi ne, %sign3A_6, %sign3A_13 : i32
    %rem3A = arith.remsi %add3A, %jit3A : i32
    %ne3A_14 = arith.constant 0 : i32
    %ne3A_15 = arith.cmpi ne, %rem3A, %ne3A_14 : i32
    %and3A = arith.andi %ne3A, %ne3A_15 : i1
    %sub3A = arith.constant 1 : i32
    %sub3A_16 = arith.subi %div3A, %sub3A : i32
    %select_n3A = arith.select %and3A, %sub3A_16, %div3A : i32
    %jit3A_17 = arith.constant 8 : i32
    %eq3A = arith.constant 0 : i32
    %eq3A_18 = arith.cmpi eq, %jit3A_17, %eq3A : i32
    %jit3A_19 = arith.constant 1 : i32
    %select_n3A_20 = arith.select %eq3A_18, %jit3A_19, %jit3A_17 : i32
    %rem3A_21 = arith.remsi %add3A, %select_n3A_20 : i32
    %ne3A_22 = arith.constant 0 : i32
    %ne3A_23 = arith.cmpi ne, %rem3A_21, %ne3A_22 : i32
    %lt3A = arith.constant 0 : i32
    %lt3A_24 = arith.cmpi slt, %rem3A_21, %lt3A : i32
    %lt3A_25 = arith.constant 0 : i32
    %lt3A_26 = arith.cmpi slt, %select_n3A_20, %lt3A_25 : i32
    %ne3A_27 = arith.xori %lt3A_24, %lt3A_26 : i1
    %and3A_28 = arith.andi %ne3A_27, %ne3A_23 : i1
    %add3A_29 = arith.addi %rem3A_21, %select_n3A_20 : i32
    %select_n3A_30 = arith.select %and3A_28, %add3A_29, %rem3A_21 : i32
    %mul3A_31 = arith.constant 128 : i32
    %mul3A_32 = arith.muli %select_n3A_30, %mul3A_31 : i32
    "tpu.region"() ({
      %run_scoped3A = tpu.sem_alloc : memref<!tpu.dma_semaphore, #tpu.memory_space<semaphore_mem>>
      %dma_start3A_359 = tpu.memref_slice %arg4[%select_n3A, %mul3A_32] : memref<4x1024xi32, #tpu.memory_space<hbm>> -> memref<1x128xi32, #tpu.memory_space<hbm>>
      %dma_start3A_360 = tpu.memref_squeeze %dma_start3A_359 : memref<1x128xi32, #tpu.memory_space<hbm>> -> memref<128xi32, #tpu.memory_space<hbm>>
      %dma_start3A_361 = tpu.memref_slice %arg4[%select_n3A, %mul3A_32] : memref<4x1024xi32, #tpu.memory_space<hbm>> -> memref<1x128xi32, #tpu.memory_space<hbm>>
      %dma_start3A_362 = tpu.memref_squeeze %dma_start3A_361 : memref<1x128xi32, #tpu.memory_space<hbm>> -> memref<128xi32, #tpu.memory_space<hbm>>
      tpu.enqueue_dma source(%dma_start3A_362 : memref<128xi32, #tpu.memory_space<hbm>>) target(%arg9 : memref<128xi32, #tpu.memory_space<vmem>>) target_semaphore(%run_scoped3A : memref<!tpu.dma_semaphore, #tpu.memory_space<semaphore_mem>>)
      %dma_wait3A_363 = tpu.memref_slice %arg4[%select_n3A, %mul3A_32] : memref<4x1024xi32, #tpu.memory_space<hbm>> -> memref<1x128xi32, #tpu.memory_space<hbm>>
      %dma_wait3A_364 = tpu.memref_squeeze %dma_wait3A_363 : memref<1x128xi32, #tpu.memory_space<hbm>> -> memref<128xi32, #tpu.memory_space<hbm>>
      %dma_wait3A_365 = tpu.memref_slice %arg4[%select_n3A, %mul3A_32] : memref<4x1024xi32, #tpu.memory_space<hbm>> -> memref<1x128xi32, #tpu.memory_space<hbm>>
      %dma_wait3A_366 = tpu.memref_squeeze %dma_wait3A_365 : memref<1x128xi32, #tpu.memory_space<hbm>> -> memref<128xi32, #tpu.memory_space<hbm>>
      tpu.wait_dma2 semaphore(%run_scoped3A : memref<!tpu.dma_semaphore, #tpu.memory_space<semaphore_mem>>) src(%dma_wait3A_366 : memref<128xi32, #tpu.memory_space<hbm>>) dst(%arg9 : memref<128xi32, #tpu.memory_space<vmem>>)
      tpu.yield
    }) : () -> ()
    "tpu.region"() ({
      %run_scoped3A = tpu.sem_alloc : memref<!tpu.dma_semaphore, #tpu.memory_space<semaphore_mem>>
      %dma_start3A_359 = tpu.memref_slice %arg5[%select_n3A, %mul3A_32] : memref<4x1024xi32, #tpu.memory_space<hbm>> -> memref<1x128xi32, #tpu.memory_space<hbm>>
      %dma_start3A_360 = tpu.memref_squeeze %dma_start3A_359 : memref<1x128xi32, #tpu.memory_space<hbm>> -> memref<128xi32, #tpu.memory_space<hbm>>
      %dma_start3A_361 = tpu.memref_slice %arg5[%select_n3A, %mul3A_32] : memref<4x1024xi32, #tpu.memory_space<hbm>> -> memref<1x128xi32, #tpu.memory_space<hbm>>
      %dma_start3A_362 = tpu.memref_squeeze %dma_start3A_361 : memref<1x128xi32, #tpu.memory_space<hbm>> -> memref<128xi32, #tpu.memory_space<hbm>>
      tpu.enqueue_dma source(%dma_start3A_362 : memref<128xi32, #tpu.memory_space<hbm>>) target(%arg10 : memref<128xi32, #tpu.memory_space<vmem>>) target_semaphore(%run_scoped3A : memref<!tpu.dma_semaphore, #tpu.memory_space<semaphore_mem>>)
      %dma_wait3A_363 = tpu.memref_slice %arg5[%select_n3A, %mul3A_32] : memref<4x1024xi32, #tpu.memory_space<hbm>> -> memref<1x128xi32, #tpu.memory_space<hbm>>
      %dma_wait3A_364 = tpu.memref_squeeze %dma_wait3A_363 : memref<1x128xi32, #tpu.memory_space<hbm>> -> memref<128xi32, #tpu.memory_space<hbm>>
      %dma_wait3A_365 = tpu.memref_slice %arg5[%select_n3A, %mul3A_32] : memref<4x1024xi32, #tpu.memory_space<hbm>> -> memref<1x128xi32, #tpu.memory_space<hbm>>
      %dma_wait3A_366 = tpu.memref_squeeze %dma_wait3A_365 : memref<1x128xi32, #tpu.memory_space<hbm>> -> memref<128xi32, #tpu.memory_space<hbm>>
      tpu.wait_dma2 semaphore(%run_scoped3A : memref<!tpu.dma_semaphore, #tpu.memory_space<semaphore_mem>>) src(%dma_wait3A_366 : memref<128xi32, #tpu.memory_space<hbm>>) dst(%arg10 : memref<128xi32, #tpu.memory_space<vmem>>)
      tpu.yield
    }) : () -> ()
    %broadcast_in_dim3A = arith.constant 0 : i32
    %broadcast_in_dim3A_33 = vector.broadcast %broadcast_in_dim3A : i32 to vector<16xi32>
    %broadcast_in_dim3A_34 = arith.constant 1 : i32
    %broadcast_in_dim3A_35 = vector.broadcast %broadcast_in_dim3A_34 : i32 to vector<16xi32>
    %get3A = arith.constant 0 : index
    %get3A_36 = tpu.vector_load %arg9[%get3A] {strides = array<i32>} : memref<128xi32, #tpu.memory_space<vmem>>, vector<16xi32>,
    %get3A_37 = vector.shape_cast %get3A_36 : vector<16xi32> to vector<16xi32>
    %gt3A = arith.cmpi sgt, %get3A_37, %broadcast_in_dim3A_33 : vector<16xi32>
    %select_n3A_38 = arith.select %gt3A, %broadcast_in_dim3A_35, %broadcast_in_dim3A_33 : vector<16xi1>, vector<16xi32>
    %swap3A = arith.constant 0 : index
    %swap3A_39 = tpu.vector_load %arg11[%swap3A] {strides = array<i32>} : memref<128xi32, #tpu.memory_space<vmem>>, vector<16xi32>,
    %swap3A_40 = vector.shape_cast %swap3A_39 : vector<16xi32> to vector<16xi32>
    %swap3A_41 = vector.shape_cast %select_n3A_38 : vector<16xi32> to vector<16xi32>
    tpu.vector_store %arg11[%swap3A], %swap3A_41 {strides = array<i32>} : memref<128xi32, #tpu.memory_space<vmem>>, vector<16xi32>,
    %get3A_42 = arith.constant 16 : index
    %get3A_43 = tpu.vector_load %arg9[%get3A_42] {strides = array<i32>} : memref<128xi32, #tpu.memory_space<vmem>>, vector<16xi32>,
    %get3A_44 = vector.shape_cast %get3A_43 : vector<16xi32> to vector<16xi32>
    %gt3A_45 = arith.cmpi sgt, %get3A_44, %broadcast_in_dim3A_33 : vector<16xi32>
    %select_n3A_46 = arith.select %gt3A_45, %broadcast_in_dim3A_35, %broadcast_in_dim3A_33 : vector<16xi1>, vector<16xi32>
    %swap3A_47 = arith.constant 16 : index
    %swap3A_48 = tpu.vector_load %arg11[%swap3A_47] {strides = array<i32>} : memref<128xi32, #tpu.memory_space<vmem>>, vector<16xi32>,
    %swap3A_49 = vector.shape_cast %swap3A_48 : vector<16xi32> to vector<16xi32>
    %swap3A_50 = vector.shape_cast %select_n3A_46 : vector<16xi32> to vector<16xi32>
    tpu.vector_store %arg11[%swap3A_47], %swap3A_50 {strides = array<i32>} : memref<128xi32, #tpu.memory_space<vmem>>, vector<16xi32>,
    %get3A_51 = arith.constant 32 : index
    %get3A_52 = tpu.vector_load %arg9[%get3A_51] {strides = array<i32>} : memref<128xi32, #tpu.memory_space<vmem>>, vector<16xi32>,
    %get3A_53 = vector.shape_cast %get3A_52 : vector<16xi32> to vector<16xi32>
    %gt3A_54 = arith.cmpi sgt, %get3A_53, %broadcast_in_dim3A_33 : vector<16xi32>
    %select_n3A_55 = arith.select %gt3A_54, %broadcast_in_dim3A_35, %broadcast_in_dim3A_33 : vector<16xi1>, vector<16xi32>
    %swap3A_56 = arith.constant 32 : index
    %swap3A_57 = tpu.vector_load %arg11[%swap3A_56] {strides = array<i32>} : memref<128xi32, #tpu.memory_space<vmem>>, vector<16xi32>,
    %swap3A_58 = vector.shape_cast %swap3A_57 : vector<16xi32> to vector<16xi32>
    %swap3A_59 = vector.shape_cast %select_n3A_55 : vector<16xi32> to vector<16xi32>
    tpu.vector_store %arg11[%swap3A_56], %swap3A_59 {strides = array<i32>} : memref<128xi32, #tpu.memory_space<vmem>>, vector<16xi32>,
    %get3A_60 = arith.constant 48 : index
    %get3A_61 = tpu.vector_load %arg9[%get3A_60] {strides = array<i32>} : memref<128xi32, #tpu.memory_space<vmem>>, vector<16xi32>,
    %get3A_62 = vector.shape_cast %get3A_61 : vector<16xi32> to vector<16xi32>
    %gt3A_63 = arith.cmpi sgt, %get3A_62, %broadcast_in_dim3A_33 : vector<16xi32>
    %select_n3A_64 = arith.select %gt3A_63, %broadcast_in_dim3A_35, %broadcast_in_dim3A_33 : vector<16xi1>, vector<16xi32>
    %swap3A_65 = arith.constant 48 : index
    %swap3A_66 = tpu.vector_load %arg11[%swap3A_65] {strides = array<i32>} : memref<128xi32, #tpu.memory_space<vmem>>, vector<16xi32>,
    %swap3A_67 = vector.shape_cast %swap3A_66 : vector<16xi32> to vector<16xi32>
    %swap3A_68 = vector.shape_cast %select_n3A_64 : vector<16xi32> to vector<16xi32>
    tpu.vector_store %arg11[%swap3A_65], %swap3A_68 {strides = array<i32>} : memref<128xi32, #tpu.memory_space<vmem>>, vector<16xi32>,
    %get3A_69 = arith.constant 64 : index
    %get3A_70 = tpu.vector_load %arg9[%get3A_69] {strides = array<i32>} : memref<128xi32, #tpu.memory_space<vmem>>, vector<16xi32>,
    %get3A_71 = vector.shape_cast %get3A_70 : vector<16xi32> to vector<16xi32>
    %gt3A_72 = arith.cmpi sgt, %get3A_71, %broadcast_in_dim3A_33 : vector<16xi32>
    %select_n3A_73 = arith.select %gt3A_72, %broadcast_in_dim3A_35, %broadcast_in_dim3A_33 : vector<16xi1>, vector<16xi32>
    %swap3A_74 = arith.constant 64 : index
    %swap3A_75 = tpu.vector_load %arg11[%swap3A_74] {strides = array<i32>} : memref<128xi32, #tpu.memory_space<vmem>>, vector<16xi32>,
    %swap3A_76 = vector.shape_cast %swap3A_75 : vector<16xi32> to vector<16xi32>
    %swap3A_77 = vector.shape_cast %select_n3A_73 : vector<16xi32> to vector<16xi32>
    tpu.vector_store %arg11[%swap3A_74], %swap3A_77 {strides = array<i32>} : memref<128xi32, #tpu.memory_space<vmem>>, vector<16xi32>,
    %get3A_78 = arith.constant 80 : index
    %get3A_79 = tpu.vector_load %arg9[%get3A_78] {strides = array<i32>} : memref<128xi32, #tpu.memory_space<vmem>>, vector<16xi32>,
    %get3A_80 = vector.shape_cast %get3A_79 : vector<16xi32> to vector<16xi32>
    %gt3A_81 = arith.cmpi sgt, %get3A_80, %broadcast_in_dim3A_33 : vector<16xi32>
    %select_n3A_82 = arith.select %gt3A_81, %broadcast_in_dim3A_35, %broadcast_in_dim3A_33 : vector<16xi1>, vector<16xi32>
    %swap3A_83 = arith.constant 80 : index
    %swap3A_84 = tpu.vector_load %arg11[%swap3A_83] {strides = array<i32>} : memref<128xi32, #tpu.memory_space<vmem>>, vector<16xi32>,
    %swap3A_85 = vector.shape_cast %swap3A_84 : vector<16xi32> to vector<16xi32>
    %swap3A_86 = vector.shape_cast %select_n3A_82 : vector<16xi32> to vector<16xi32>
    tpu.vector_store %arg11[%swap3A_83], %swap3A_86 {strides = array<i32>} : memref<128xi32, #tpu.memory_space<vmem>>, vector<16xi32>,
    %get3A_87 = arith.constant 96 : index
    %get3A_88 = tpu.vector_load %arg9[%get3A_87] {strides = array<i32>} : memref<128xi32, #tpu.memory_space<vmem>>, vector<16xi32>,
    %get3A_89 = vector.shape_cast %get3A_88 : vector<16xi32> to vector<16xi32>
    %gt3A_90 = arith.cmpi sgt, %get3A_89, %broadcast_in_dim3A_33 : vector<16xi32>
    %select_n3A_91 = arith.select %gt3A_90, %broadcast_in_dim3A_35, %broadcast_in_dim3A_33 : vector<16xi1>, vector<16xi32>
    %swap3A_92 = arith.constant 96 : index
    %swap3A_93 = tpu.vector_load %arg11[%swap3A_92] {strides = array<i32>} : memref<128xi32, #tpu.memory_space<vmem>>, vector<16xi32>,
    %swap3A_94 = vector.shape_cast %swap3A_93 : vector<16xi32> to vector<16xi32>
    %swap3A_95 = vector.shape_cast %select_n3A_91 : vector<16xi32> to vector<16xi32>
    tpu.vector_store %arg11[%swap3A_92], %swap3A_95 {strides = array<i32>} : memref<128xi32, #tpu.memory_space<vmem>>, vector<16xi32>,
    %get3A_96 = arith.constant 112 : index
    %get3A_97 = tpu.vector_load %arg9[%get3A_96] {strides = array<i32>} : memref<128xi32, #tpu.memory_space<vmem>>, vector<16xi32>,
    %get3A_98 = vector.shape_cast %get3A_97 : vector<16xi32> to vector<16xi32>
    %gt3A_99 = arith.cmpi sgt, %get3A_98, %broadcast_in_dim3A_33 : vector<16xi32>
    %select_n3A_100 = arith.select %gt3A_99, %broadcast_in_dim3A_35, %broadcast_in_dim3A_33 : vector<16xi1>, vector<16xi32>
    %swap3A_101 = arith.constant 112 : index
    %swap3A_102 = tpu.vector_load %arg11[%swap3A_101] {strides = array<i32>} : memref<128xi32, #tpu.memory_space<vmem>>, vector<16xi32>,
    %swap3A_103 = vector.shape_cast %swap3A_102 : vector<16xi32> to vector<16xi32>
    %swap3A_104 = vector.shape_cast %select_n3A_100 : vector<16xi32> to vector<16xi32>
    tpu.vector_store %arg11[%swap3A_101], %swap3A_104 {strides = array<i32>} : memref<128xi32, #tpu.memory_space<vmem>>, vector<16xi32>,
    "tpu.region"() ({
      %run_scoped3A = tpu.sem_alloc : memref<!tpu.dma_semaphore, #tpu.memory_space<semaphore_mem>>
      %dma_start3A_359 = tpu.memref_slice %arg8[%select_n3A, %mul3A_32] : memref<4x1024xi32, #tpu.memory_space<hbm>> -> memref<1x128xi32, #tpu.memory_space<hbm>>
      %dma_start3A_360 = tpu.memref_squeeze %dma_start3A_359 : memref<1x128xi32, #tpu.memory_space<hbm>> -> memref<128xi32, #tpu.memory_space<hbm>>
      %dma_start3A_361 = tpu.memref_slice %arg8[%select_n3A, %mul3A_32] : memref<4x1024xi32, #tpu.memory_space<hbm>> -> memref<1x128xi32, #tpu.memory_space<hbm>>
      %dma_start3A_362 = tpu.memref_squeeze %dma_start3A_361 : memref<1x128xi32, #tpu.memory_space<hbm>> -> memref<128xi32, #tpu.memory_space<hbm>>
      tpu.enqueue_dma source(%arg11 : memref<128xi32, #tpu.memory_space<vmem>>) target(%dma_start3A_362 : memref<128xi32, #tpu.memory_space<hbm>>) target_semaphore(%run_scoped3A : memref<!tpu.dma_semaphore, #tpu.memory_space<semaphore_mem>>)
      %dma_wait3A_363 = tpu.memref_slice %arg8[%select_n3A, %mul3A_32] : memref<4x1024xi32, #tpu.memory_space<hbm>> -> memref<1x128xi32, #tpu.memory_space<hbm>>
      %dma_wait3A_364 = tpu.memref_squeeze %dma_wait3A_363 : memref<1x128xi32, #tpu.memory_space<hbm>> -> memref<128xi32, #tpu.memory_space<hbm>>
      %dma_wait3A_365 = tpu.memref_slice %arg8[%select_n3A, %mul3A_32] : memref<4x1024xi32, #tpu.memory_space<hbm>> -> memref<1x128xi32, #tpu.memory_space<hbm>>
      %dma_wait3A_366 = tpu.memref_squeeze %dma_wait3A_365 : memref<1x128xi32, #tpu.memory_space<hbm>> -> memref<128xi32, #tpu.memory_space<hbm>>
      tpu.wait_dma2 semaphore(%run_scoped3A : memref<!tpu.dma_semaphore, #tpu.memory_space<semaphore_mem>>) src(%arg11 : memref<128xi32, #tpu.memory_space<vmem>>) dst(%dma_wait3A_366 : memref<128xi32, #tpu.memory_space<hbm>>)
      tpu.yield
    }) : () -> ()
    %dma_start3A = arith.constant 0 : i32
    %dma_start3A_105 = tpu.memref_slice %arg9[%dma_start3A] : memref<128xi32, #tpu.memory_space<vmem>> -> memref<32xi32, #tpu.memory_space<vmem>>
    %dma_start3A_106 = arith.constant 0 : i32
    %dma_start3A_107 = arith.constant 0 : i32
    %dma_start3A_108 = tpu.memref_slice %arg3[%select_n3A, %dma_start3A_106, %dma_start3A_107] : memref<4x4096x1024xf32, #tpu.memory_space<hbm>> -> memref<1x4096x1024xf32, #tpu.memory_space<hbm>>
    %dma_start3A_109 = tpu.memref_squeeze %dma_start3A_108 : memref<1x4096x1024xf32, #tpu.memory_space<hbm>> -> memref<4096x1024xf32, #tpu.memory_space<hbm>>
    %dma_start3A_110 = arith.constant 0 : i32
    %dma_start3A_111 = arith.constant 0 : i32
    %dma_start3A_112 = tpu.memref_slice %dma_start3A_109[%dma_start3A_110, %dma_start3A_111] : memref<4096x1024xf32, #tpu.memory_space<hbm>> -> memref<4096x1024xf32, #tpu.memory_space<hbm>>
    tpu.enqueue_indirect_dma source(%dma_start3A_112 : memref<4096x1024xf32, #tpu.memory_space<hbm>>) target(%arg12 : memref<32x1024xf32, #tpu.memory_space<vmem>>) offsets(%dma_start3A_105 : memref<32xi32, #tpu.memory_space<vmem>>) semaphore(%arg15 : memref<!tpu.dma_semaphore, #tpu.memory_space<semaphore_mem>>)
    %dma_start3A_113 = arith.constant 32 : i32
    %dma_start3A_114 = tpu.memref_slice %arg9[%dma_start3A_113] : memref<128xi32, #tpu.memory_space<vmem>> -> memref<32xi32, #tpu.memory_space<vmem>>
    %dma_start3A_115 = arith.constant 0 : i32
    %dma_start3A_116 = arith.constant 0 : i32
    %dma_start3A_117 = tpu.memref_slice %arg3[%select_n3A, %dma_start3A_115, %dma_start3A_116] : memref<4x4096x1024xf32, #tpu.memory_space<hbm>> -> memref<1x4096x1024xf32, #tpu.memory_space<hbm>>
    %dma_start3A_118 = tpu.memref_squeeze %dma_start3A_117 : memref<1x4096x1024xf32, #tpu.memory_space<hbm>> -> memref<4096x1024xf32, #tpu.memory_space<hbm>>
    %dma_start3A_119 = arith.constant 0 : i32
    %dma_start3A_120 = arith.constant 0 : i32
    %dma_start3A_121 = tpu.memref_slice %dma_start3A_118[%dma_start3A_119, %dma_start3A_120] : memref<4096x1024xf32, #tpu.memory_space<hbm>> -> memref<4096x1024xf32, #tpu.memory_space<hbm>>
    tpu.enqueue_indirect_dma source(%dma_start3A_121 : memref<4096x1024xf32, #tpu.memory_space<hbm>>) target(%arg13 : memref<32x1024xf32, #tpu.memory_space<vmem>>) offsets(%dma_start3A_114 : memref<32xi32, #tpu.memory_space<vmem>>) semaphore(%arg16 : memref<!tpu.dma_semaphore, #tpu.memory_space<semaphore_mem>>)
    %dma_start3A_122 = arith.constant 64 : i32
    %dma_start3A_123 = tpu.memref_slice %arg9[%dma_start3A_122] : memref<128xi32, #tpu.memory_space<vmem>> -> memref<32xi32, #tpu.memory_space<vmem>>
    %dma_start3A_124 = arith.constant 0 : i32
    %dma_start3A_125 = arith.constant 0 : i32
    %dma_start3A_126 = tpu.memref_slice %arg3[%select_n3A, %dma_start3A_124, %dma_start3A_125] : memref<4x4096x1024xf32, #tpu.memory_space<hbm>> -> memref<1x4096x1024xf32, #tpu.memory_space<hbm>>
    %dma_start3A_127 = tpu.memref_squeeze %dma_start3A_126 : memref<1x4096x1024xf32, #tpu.memory_space<hbm>> -> memref<4096x1024xf32, #tpu.memory_space<hbm>>
    %dma_start3A_128 = arith.constant 0 : i32
    %dma_start3A_129 = arith.constant 0 : i32
    %dma_start3A_130 = tpu.memref_slice %dma_start3A_127[%dma_start3A_128, %dma_start3A_129] : memref<4096x1024xf32, #tpu.memory_space<hbm>> -> memref<4096x1024xf32, #tpu.memory_space<hbm>>
    tpu.enqueue_indirect_dma source(%dma_start3A_130 : memref<4096x1024xf32, #tpu.memory_space<hbm>>) target(%arg14 : memref<32x1024xf32, #tpu.memory_space<vmem>>) offsets(%dma_start3A_123 : memref<32xi32, #tpu.memory_space<vmem>>) semaphore(%arg17 : memref<!tpu.dma_semaphore, #tpu.memory_space<semaphore_mem>>)
    %dma_wait3A = arith.constant 0 : i32
    %dma_wait3A_131 = tpu.memref_slice %arg9[%dma_wait3A] : memref<128xi32, #tpu.memory_space<vmem>> -> memref<32xi32, #tpu.memory_space<vmem>>
    %dma_wait3A_132 = arith.constant 0 : i32
    %dma_wait3A_133 = arith.constant 0 : i32
    %dma_wait3A_134 = tpu.memref_slice %arg3[%select_n3A, %dma_wait3A_132, %dma_wait3A_133] : memref<4x4096x1024xf32, #tpu.memory_space<hbm>> -> memref<1x4096x1024xf32, #tpu.memory_space<hbm>>
    %dma_wait3A_135 = tpu.memref_squeeze %dma_wait3A_134 : memref<1x4096x1024xf32, #tpu.memory_space<hbm>> -> memref<4096x1024xf32, #tpu.memory_space<hbm>>
    %dma_wait3A_136 = arith.constant 0 : i32
    %dma_wait3A_137 = arith.constant 0 : i32
    %dma_wait3A_138 = tpu.memref_slice %dma_wait3A_135[%dma_wait3A_136, %dma_wait3A_137] : memref<4096x1024xf32, #tpu.memory_space<hbm>> -> memref<4096x1024xf32, #tpu.memory_space<hbm>>
    tpu.wait_indirect_dma semaphore(%arg15 : memref<!tpu.dma_semaphore, #tpu.memory_space<semaphore_mem>>) src(%dma_wait3A_138 : memref<4096x1024xf32, #tpu.memory_space<hbm>>) dst(%arg12 : memref<32x1024xf32, #tpu.memory_space<vmem>>)
    %add3A_139 = arith.constant 0 : i32
    %add3A_140 = arith.addi %mul3A_32, %add3A_139 : i32
    %dma_start3A_141 = arith.constant 0 : i32
    %dma_start3A_142 = tpu.memref_slice %arg7[%select_n3A, %add3A_140, %dma_start3A_141] : memref<4x1024x1024xf32, #tpu.memory_space<hbm>> -> memref<1x32x1024xf32, #tpu.memory_space<hbm>>
    %dma_start3A_143 = tpu.memref_squeeze %dma_start3A_142 : memref<1x32x1024xf32, #tpu.memory_space<hbm>> -> memref<32x1024xf32, #tpu.memory_space<hbm>>
    %dma_start3A_144 = arith.constant 0 : i32
    %dma_start3A_145 = tpu.memref_slice %arg7[%select_n3A, %add3A_140, %dma_start3A_144] : memref<4x1024x1024xf32, #tpu.memory_space<hbm>> -> memref<1x32x1024xf32, #tpu.memory_space<hbm>>
    %dma_start3A_146 = tpu.memref_squeeze %dma_start3A_145 : memref<1x32x1024xf32, #tpu.memory_space<hbm>> -> memref<32x1024xf32, #tpu.memory_space<hbm>>
    tpu.enqueue_dma source(%arg12 : memref<32x1024xf32, #tpu.memory_space<vmem>>) target(%dma_start3A_146 : memref<32x1024xf32, #tpu.memory_space<hbm>>) target_semaphore(%arg18 : memref<!tpu.dma_semaphore, #tpu.memory_space<semaphore_mem>>)
    %dma_wait3A_147 = arith.constant 0 : i32
    %dma_wait3A_148 = tpu.memref_slice %arg7[%select_n3A, %add3A_140, %dma_wait3A_147] : memref<4x1024x1024xf32, #tpu.memory_space<hbm>> -> memref<1x32x1024xf32, #tpu.memory_space<hbm>>
    %dma_wait3A_149 = tpu.memref_squeeze %dma_wait3A_148 : memref<1x32x1024xf32, #tpu.memory_space<hbm>> -> memref<32x1024xf32, #tpu.memory_space<hbm>>
    %dma_wait3A_150 = arith.constant 0 : i32
    %dma_wait3A_151 = tpu.memref_slice %arg7[%select_n3A, %add3A_140, %dma_wait3A_150] : memref<4x1024x1024xf32, #tpu.memory_space<hbm>> -> memref<1x32x1024xf32, #tpu.memory_space<hbm>>
    %dma_wait3A_152 = tpu.memref_squeeze %dma_wait3A_151 : memref<1x32x1024xf32, #tpu.memory_space<hbm>> -> memref<32x1024xf32, #tpu.memory_space<hbm>>
    tpu.wait_dma2 semaphore(%arg18 : memref<!tpu.dma_semaphore, #tpu.memory_space<semaphore_mem>>) src(%arg12 : memref<32x1024xf32, #tpu.memory_space<vmem>>) dst(%dma_wait3A_152 : memref<32x1024xf32, #tpu.memory_space<hbm>>)
    %dma_start3A_153 = arith.constant 96 : i32
    %dma_start3A_154 = tpu.memref_slice %arg9[%dma_start3A_153] : memref<128xi32, #tpu.memory_space<vmem>> -> memref<32xi32, #tpu.memory_space<vmem>>
    %dma_start3A_155 = arith.constant 0 : i32
    %dma_start3A_156 = arith.constant 0 : i32
    %dma_start3A_157 = tpu.memref_slice %arg3[%select_n3A, %dma_start3A_155, %dma_start3A_156] : memref<4x4096x1024xf32, #tpu.memory_space<hbm>> -> memref<1x4096x1024xf32, #tpu.memory_space<hbm>>
    %dma_start3A_158 = tpu.memref_squeeze %dma_start3A_157 : memref<1x4096x1024xf32, #tpu.memory_space<hbm>> -> memref<4096x1024xf32, #tpu.memory_space<hbm>>
    %dma_start3A_159 = arith.constant 0 : i32
    %dma_start3A_160 = arith.constant 0 : i32
    %dma_start3A_161 = tpu.memref_slice %dma_start3A_158[%dma_start3A_159, %dma_start3A_160] : memref<4096x1024xf32, #tpu.memory_space<hbm>> -> memref<4096x1024xf32, #tpu.memory_space<hbm>>
    tpu.enqueue_indirect_dma source(%dma_start3A_161 : memref<4096x1024xf32, #tpu.memory_space<hbm>>) target(%arg12 : memref<32x1024xf32, #tpu.memory_space<vmem>>) offsets(%dma_start3A_154 : memref<32xi32, #tpu.memory_space<vmem>>) semaphore(%arg15 : memref<!tpu.dma_semaphore, #tpu.memory_space<semaphore_mem>>)
    %dma_wait3A_162 = arith.constant 32 : i32
    %dma_wait3A_163 = tpu.memref_slice %arg9[%dma_wait3A_162] : memref<128xi32, #tpu.memory_space<vmem>> -> memref<32xi32, #tpu.memory_space<vmem>>
    %dma_wait3A_164 = arith.constant 0 : i32
    %dma_wait3A_165 = arith.constant 0 : i32
    %dma_wait3A_166 = tpu.memref_slice %arg3[%select_n3A, %dma_wait3A_164, %dma_wait3A_165] : memref<4x4096x1024xf32, #tpu.memory_space<hbm>> -> memref<1x4096x1024xf32, #tpu.memory_space<hbm>>
    %dma_wait3A_167 = tpu.memref_squeeze %dma_wait3A_166 : memref<1x4096x1024xf32, #tpu.memory_space<hbm>> -> memref<4096x1024xf32, #tpu.memory_space<hbm>>
    %dma_wait3A_168 = arith.constant 0 : i32
    %dma_wait3A_169 = arith.constant 0 : i32
    %dma_wait3A_170 = tpu.memref_slice %dma_wait3A_167[%dma_wait3A_168, %dma_wait3A_169] : memref<4096x1024xf32, #tpu.memory_space<hbm>> -> memref<4096x1024xf32, #tpu.memory_space<hbm>>
    tpu.wait_indirect_dma semaphore(%arg16 : memref<!tpu.dma_semaphore, #tpu.memory_space<semaphore_mem>>) src(%dma_wait3A_170 : memref<4096x1024xf32, #tpu.memory_space<hbm>>) dst(%arg13 : memref<32x1024xf32, #tpu.memory_space<vmem>>)
    %add3A_171 = arith.constant 32 : i32
    %add3A_172 = arith.addi %mul3A_32, %add3A_171 : i32
    %dma_start3A_173 = arith.constant 0 : i32
    %dma_start3A_174 = tpu.memref_slice %arg7[%select_n3A, %add3A_172, %dma_start3A_173] : memref<4x1024x1024xf32, #tpu.memory_space<hbm>> -> memref<1x32x1024xf32, #tpu.memory_space<hbm>>
    %dma_start3A_175 = tpu.memref_squeeze %dma_start3A_174 : memref<1x32x1024xf32, #tpu.memory_space<hbm>> -> memref<32x1024xf32, #tpu.memory_space<hbm>>
    %dma_start3A_176 = arith.constant 0 : i32
    %dma_start3A_177 = tpu.memref_slice %arg7[%select_n3A, %add3A_172, %dma_start3A_176] : memref<4x1024x1024xf32, #tpu.memory_space<hbm>> -> memref<1x32x1024xf32, #tpu.memory_space<hbm>>
    %dma_start3A_178 = tpu.memref_squeeze %dma_start3A_177 : memref<1x32x1024xf32, #tpu.memory_space<hbm>> -> memref<32x1024xf32, #tpu.memory_space<hbm>>
    tpu.enqueue_dma source(%arg13 : memref<32x1024xf32, #tpu.memory_space<vmem>>) target(%dma_start3A_178 : memref<32x1024xf32, #tpu.memory_space<hbm>>) target_semaphore(%arg19 : memref<!tpu.dma_semaphore, #tpu.memory_space<semaphore_mem>>)
    %dma_wait3A_179 = arith.constant 0 : i32
    %dma_wait3A_180 = tpu.memref_slice %arg7[%select_n3A, %add3A_172, %dma_wait3A_179] : memref<4x1024x1024xf32, #tpu.memory_space<hbm>> -> memref<1x32x1024xf32, #tpu.memory_space<hbm>>
    %dma_wait3A_181 = tpu.memref_squeeze %dma_wait3A_180 : memref<1x32x1024xf32, #tpu.memory_space<hbm>> -> memref<32x1024xf32, #tpu.memory_space<hbm>>
    %dma_wait3A_182 = arith.constant 0 : i32
    %dma_wait3A_183 = tpu.memref_slice %arg7[%select_n3A, %add3A_172, %dma_wait3A_182] : memref<4x1024x1024xf32, #tpu.memory_space<hbm>> -> memref<1x32x1024xf32, #tpu.memory_space<hbm>>
    %dma_wait3A_184 = tpu.memref_squeeze %dma_wait3A_183 : memref<1x32x1024xf32, #tpu.memory_space<hbm>> -> memref<32x1024xf32, #tpu.memory_space<hbm>>
    tpu.wait_dma2 semaphore(%arg19 : memref<!tpu.dma_semaphore, #tpu.memory_space<semaphore_mem>>) src(%arg13 : memref<32x1024xf32, #tpu.memory_space<vmem>>) dst(%dma_wait3A_184 : memref<32x1024xf32, #tpu.memory_space<hbm>>)
    %dma_start3A_185 = arith.constant 0 : i32
    %dma_start3A_186 = tpu.memref_slice %arg10[%dma_start3A_185] : memref<128xi32, #tpu.memory_space<vmem>> -> memref<32xi32, #tpu.memory_space<vmem>>
    %dma_start3A_187 = arith.constant 0 : i32
    %dma_start3A_188 = arith.constant 0 : i32
    %dma_start3A_189 = tpu.memref_slice %arg2[%select_n3A, %dma_start3A_187, %dma_start3A_188] : memref<4x4096x1024xf32, #tpu.memory_space<hbm>> -> memref<1x4096x1024xf32, #tpu.memory_space<hbm>>
    %dma_start3A_190 = tpu.memref_squeeze %dma_start3A_189 : memref<1x4096x1024xf32, #tpu.memory_space<hbm>> -> memref<4096x1024xf32, #tpu.memory_space<hbm>>
    %dma_start3A_191 = arith.constant 0 : i32
    %dma_start3A_192 = arith.constant 0 : i32
    %dma_start3A_193 = tpu.memref_slice %dma_start3A_190[%dma_start3A_191, %dma_start3A_192] : memref<4096x1024xf32, #tpu.memory_space<hbm>> -> memref<4096x1024xf32, #tpu.memory_space<hbm>>
    tpu.enqueue_indirect_dma source(%dma_start3A_193 : memref<4096x1024xf32, #tpu.memory_space<hbm>>) target(%arg13 : memref<32x1024xf32, #tpu.memory_space<vmem>>) offsets(%dma_start3A_186 : memref<32xi32, #tpu.memory_space<vmem>>) semaphore(%arg16 : memref<!tpu.dma_semaphore, #tpu.memory_space<semaphore_mem>>)
    %dma_wait3A_194 = arith.constant 64 : i32
    %dma_wait3A_195 = tpu.memref_slice %arg9[%dma_wait3A_194] : memref<128xi32, #tpu.memory_space<vmem>> -> memref<32xi32, #tpu.memory_space<vmem>>
    %dma_wait3A_196 = arith.constant 0 : i32
    %dma_wait3A_197 = arith.constant 0 : i32
    %dma_wait3A_198 = tpu.memref_slice %arg3[%select_n3A, %dma_wait3A_196, %dma_wait3A_197] : memref<4x4096x1024xf32, #tpu.memory_space<hbm>> -> memref<1x4096x1024xf32, #tpu.memory_space<hbm>>
    %dma_wait3A_199 = tpu.memref_squeeze %dma_wait3A_198 : memref<1x4096x1024xf32, #tpu.memory_space<hbm>> -> memref<4096x1024xf32, #tpu.memory_space<hbm>>
    %dma_wait3A_200 = arith.constant 0 : i32
    %dma_wait3A_201 = arith.constant 0 : i32
    %dma_wait3A_202 = tpu.memref_slice %dma_wait3A_199[%dma_wait3A_200, %dma_wait3A_201] : memref<4096x1024xf32, #tpu.memory_space<hbm>> -> memref<4096x1024xf32, #tpu.memory_space<hbm>>
    tpu.wait_indirect_dma semaphore(%arg17 : memref<!tpu.dma_semaphore, #tpu.memory_space<semaphore_mem>>) src(%dma_wait3A_202 : memref<4096x1024xf32, #tpu.memory_space<hbm>>) dst(%arg14 : memref<32x1024xf32, #tpu.memory_space<vmem>>)
    %add3A_203 = arith.constant 64 : i32
    %add3A_204 = arith.addi %mul3A_32, %add3A_203 : i32
    %dma_start3A_205 = arith.constant 0 : i32
    %dma_start3A_206 = tpu.memref_slice %arg7[%select_n3A, %add3A_204, %dma_start3A_205] : memref<4x1024x1024xf32, #tpu.memory_space<hbm>> -> memref<1x32x1024xf32, #tpu.memory_space<hbm>>
    %dma_start3A_207 = tpu.memref_squeeze %dma_start3A_206 : memref<1x32x1024xf32, #tpu.memory_space<hbm>> -> memref<32x1024xf32, #tpu.memory_space<hbm>>
    %dma_start3A_208 = arith.constant 0 : i32
    %dma_start3A_209 = tpu.memref_slice %arg7[%select_n3A, %add3A_204, %dma_start3A_208] : memref<4x1024x1024xf32, #tpu.memory_space<hbm>> -> memref<1x32x1024xf32, #tpu.memory_space<hbm>>
    %dma_start3A_210 = tpu.memref_squeeze %dma_start3A_209 : memref<1x32x1024xf32, #tpu.memory_space<hbm>> -> memref<32x1024xf32, #tpu.memory_space<hbm>>
    tpu.enqueue_dma source(%arg14 : memref<32x1024xf32, #tpu.memory_space<vmem>>) target(%dma_start3A_210 : memref<32x1024xf32, #tpu.memory_space<hbm>>) target_semaphore(%arg20 : memref<!tpu.dma_semaphore, #tpu.memory_space<semaphore_mem>>)
    %dma_wait3A_211 = arith.constant 0 : i32
    %dma_wait3A_212 = tpu.memref_slice %arg7[%select_n3A, %add3A_204, %dma_wait3A_211] : memref<4x1024x1024xf32, #tpu.memory_space<hbm>> -> memref<1x32x1024xf32, #tpu.memory_space<hbm>>
    %dma_wait3A_213 = tpu.memref_squeeze %dma_wait3A_212 : memref<1x32x1024xf32, #tpu.memory_space<hbm>> -> memref<32x1024xf32, #tpu.memory_space<hbm>>
    %dma_wait3A_214 = arith.constant 0 : i32
    %dma_wait3A_215 = tpu.memref_slice %arg7[%select_n3A, %add3A_204, %dma_wait3A_214] : memref<4x1024x1024xf32, #tpu.memory_space<hbm>> -> memref<1x32x1024xf32, #tpu.memory_space<hbm>>
    %dma_wait3A_216 = tpu.memref_squeeze %dma_wait3A_215 : memref<1x32x1024xf32, #tpu.memory_space<hbm>> -> memref<32x1024xf32, #tpu.memory_space<hbm>>
    tpu.wait_dma2 semaphore(%arg20 : memref<!tpu.dma_semaphore, #tpu.memory_space<semaphore_mem>>) src(%arg14 : memref<32x1024xf32, #tpu.memory_space<vmem>>) dst(%dma_wait3A_216 : memref<32x1024xf32, #tpu.memory_space<hbm>>)
    %dma_start3A_217 = arith.constant 32 : i32
    %dma_start3A_218 = tpu.memref_slice %arg10[%dma_start3A_217] : memref<128xi32, #tpu.memory_space<vmem>> -> memref<32xi32, #tpu.memory_space<vmem>>
    %dma_start3A_219 = arith.constant 0 : i32
    %dma_start3A_220 = arith.constant 0 : i32
    %dma_start3A_221 = tpu.memref_slice %arg2[%select_n3A, %dma_start3A_219, %dma_start3A_220] : memref<4x4096x1024xf32, #tpu.memory_space<hbm>> -> memref<1x4096x1024xf32, #tpu.memory_space<hbm>>
    %dma_start3A_222 = tpu.memref_squeeze %dma_start3A_221 : memref<1x4096x1024xf32, #tpu.memory_space<hbm>> -> memref<4096x1024xf32, #tpu.memory_space<hbm>>
    %dma_start3A_223 = arith.constant 0 : i32
    %dma_start3A_224 = arith.constant 0 : i32
    %dma_start3A_225 = tpu.memref_slice %dma_start3A_222[%dma_start3A_223, %dma_start3A_224] : memref<4096x1024xf32, #tpu.memory_space<hbm>> -> memref<4096x1024xf32, #tpu.memory_space<hbm>>
    tpu.enqueue_indirect_dma source(%dma_start3A_225 : memref<4096x1024xf32, #tpu.memory_space<hbm>>) target(%arg14 : memref<32x1024xf32, #tpu.memory_space<vmem>>) offsets(%dma_start3A_218 : memref<32xi32, #tpu.memory_space<vmem>>) semaphore(%arg17 : memref<!tpu.dma_semaphore, #tpu.memory_space<semaphore_mem>>)
    %dma_wait3A_226 = arith.constant 96 : i32
    %dma_wait3A_227 = tpu.memref_slice %arg9[%dma_wait3A_226] : memref<128xi32, #tpu.memory_space<vmem>> -> memref<32xi32, #tpu.memory_space<vmem>>
    %dma_wait3A_228 = arith.constant 0 : i32
    %dma_wait3A_229 = arith.constant 0 : i32
    %dma_wait3A_230 = tpu.memref_slice %arg3[%select_n3A, %dma_wait3A_228, %dma_wait3A_229] : memref<4x4096x1024xf32, #tpu.memory_space<hbm>> -> memref<1x4096x1024xf32, #tpu.memory_space<hbm>>
    %dma_wait3A_231 = tpu.memref_squeeze %dma_wait3A_230 : memref<1x4096x1024xf32, #tpu.memory_space<hbm>> -> memref<4096x1024xf32, #tpu.memory_space<hbm>>
    %dma_wait3A_232 = arith.constant 0 : i32
    %dma_wait3A_233 = arith.constant 0 : i32
    %dma_wait3A_234 = tpu.memref_slice %dma_wait3A_231[%dma_wait3A_232, %dma_wait3A_233] : memref<4096x1024xf32, #tpu.memory_space<hbm>> -> memref<4096x1024xf32, #tpu.memory_space<hbm>>
    tpu.wait_indirect_dma semaphore(%arg15 : memref<!tpu.dma_semaphore, #tpu.memory_space<semaphore_mem>>) src(%dma_wait3A_234 : memref<4096x1024xf32, #tpu.memory_space<hbm>>) dst(%arg12 : memref<32x1024xf32, #tpu.memory_space<vmem>>)
    %add3A_235 = arith.constant 96 : i32
    %add3A_236 = arith.addi %mul3A_32, %add3A_235 : i32
    %dma_start3A_237 = arith.constant 0 : i32
    %dma_start3A_238 = tpu.memref_slice %arg7[%select_n3A, %add3A_236, %dma_start3A_237] : memref<4x1024x1024xf32, #tpu.memory_space<hbm>> -> memref<1x32x1024xf32, #tpu.memory_space<hbm>>
    %dma_start3A_239 = tpu.memref_squeeze %dma_start3A_238 : memref<1x32x1024xf32, #tpu.memory_space<hbm>> -> memref<32x1024xf32, #tpu.memory_space<hbm>>
    %dma_start3A_240 = arith.constant 0 : i32
    %dma_start3A_241 = tpu.memref_slice %arg7[%select_n3A, %add3A_236, %dma_start3A_240] : memref<4x1024x1024xf32, #tpu.memory_space<hbm>> -> memref<1x32x1024xf32, #tpu.memory_space<hbm>>
    %dma_start3A_242 = tpu.memref_squeeze %dma_start3A_241 : memref<1x32x1024xf32, #tpu.memory_space<hbm>> -> memref<32x1024xf32, #tpu.memory_space<hbm>>
    tpu.enqueue_dma source(%arg12 : memref<32x1024xf32, #tpu.memory_space<vmem>>) target(%dma_start3A_242 : memref<32x1024xf32, #tpu.memory_space<hbm>>) target_semaphore(%arg18 : memref<!tpu.dma_semaphore, #tpu.memory_space<semaphore_mem>>)
    %dma_wait3A_243 = arith.constant 0 : i32
    %dma_wait3A_244 = tpu.memref_slice %arg7[%select_n3A, %add3A_236, %dma_wait3A_243] : memref<4x1024x1024xf32, #tpu.memory_space<hbm>> -> memref<1x32x1024xf32, #tpu.memory_space<hbm>>
    %dma_wait3A_245 = tpu.memref_squeeze %dma_wait3A_244 : memref<1x32x1024xf32, #tpu.memory_space<hbm>> -> memref<32x1024xf32, #tpu.memory_space<hbm>>
    %dma_wait3A_246 = arith.constant 0 : i32
    %dma_wait3A_247 = tpu.memref_slice %arg7[%select_n3A, %add3A_236, %dma_wait3A_246] : memref<4x1024x1024xf32, #tpu.memory_space<hbm>> -> memref<1x32x1024xf32, #tpu.memory_space<hbm>>
    %dma_wait3A_248 = tpu.memref_squeeze %dma_wait3A_247 : memref<1x32x1024xf32, #tpu.memory_space<hbm>> -> memref<32x1024xf32, #tpu.memory_space<hbm>>
    tpu.wait_dma2 semaphore(%arg18 : memref<!tpu.dma_semaphore, #tpu.memory_space<semaphore_mem>>) src(%arg12 : memref<32x1024xf32, #tpu.memory_space<vmem>>) dst(%dma_wait3A_248 : memref<32x1024xf32, #tpu.memory_space<hbm>>)
    %dma_start3A_249 = arith.constant 64 : i32
    %dma_start3A_250 = tpu.memref_slice %arg10[%dma_start3A_249] : memref<128xi32, #tpu.memory_space<vmem>> -> memref<32xi32, #tpu.memory_space<vmem>>
    %dma_start3A_251 = arith.constant 0 : i32
    %dma_start3A_252 = arith.constant 0 : i32
    %dma_start3A_253 = tpu.memref_slice %arg2[%select_n3A, %dma_start3A_251, %dma_start3A_252] : memref<4x4096x1024xf32, #tpu.memory_space<hbm>> -> memref<1x4096x1024xf32, #tpu.memory_space<hbm>>
    %dma_start3A_254 = tpu.memref_squeeze %dma_start3A_253 : memref<1x4096x1024xf32, #tpu.memory_space<hbm>> -> memref<4096x1024xf32, #tpu.memory_space<hbm>>
    %dma_start3A_255 = arith.constant 0 : i32
    %dma_start3A_256 = arith.constant 0 : i32
    %dma_start3A_257 = tpu.memref_slice %dma_start3A_254[%dma_start3A_255, %dma_start3A_256] : memref<4096x1024xf32, #tpu.memory_space<hbm>> -> memref<4096x1024xf32, #tpu.memory_space<hbm>>
    tpu.enqueue_indirect_dma source(%dma_start3A_257 : memref<4096x1024xf32, #tpu.memory_space<hbm>>) target(%arg12 : memref<32x1024xf32, #tpu.memory_space<vmem>>) offsets(%dma_start3A_250 : memref<32xi32, #tpu.memory_space<vmem>>) semaphore(%arg15 : memref<!tpu.dma_semaphore, #tpu.memory_space<semaphore_mem>>)
    %dma_wait3A_258 = arith.constant 0 : i32
    %dma_wait3A_259 = tpu.memref_slice %arg10[%dma_wait3A_258] : memref<128xi32, #tpu.memory_space<vmem>> -> memref<32xi32, #tpu.memory_space<vmem>>
    %dma_wait3A_260 = arith.constant 0 : i32
    %dma_wait3A_261 = arith.constant 0 : i32
    %dma_wait3A_262 = tpu.memref_slice %arg2[%select_n3A, %dma_wait3A_260, %dma_wait3A_261] : memref<4x4096x1024xf32, #tpu.memory_space<hbm>> -> memref<1x4096x1024xf32, #tpu.memory_space<hbm>>
    %dma_wait3A_263 = tpu.memref_squeeze %dma_wait3A_262 : memref<1x4096x1024xf32, #tpu.memory_space<hbm>> -> memref<4096x1024xf32, #tpu.memory_space<hbm>>
    %dma_wait3A_264 = arith.constant 0 : i32
    %dma_wait3A_265 = arith.constant 0 : i32
    %dma_wait3A_266 = tpu.memref_slice %dma_wait3A_263[%dma_wait3A_264, %dma_wait3A_265] : memref<4096x1024xf32, #tpu.memory_space<hbm>> -> memref<4096x1024xf32, #tpu.memory_space<hbm>>
    tpu.wait_indirect_dma semaphore(%arg16 : memref<!tpu.dma_semaphore, #tpu.memory_space<semaphore_mem>>) src(%dma_wait3A_266 : memref<4096x1024xf32, #tpu.memory_space<hbm>>) dst(%arg13 : memref<32x1024xf32, #tpu.memory_space<vmem>>)
    %add3A_267 = arith.constant 0 : i32
    %add3A_268 = arith.addi %mul3A_32, %add3A_267 : i32
    %dma_start3A_269 = arith.constant 0 : i32
    %dma_start3A_270 = tpu.memref_slice %arg6[%select_n3A, %add3A_268, %dma_start3A_269] : memref<4x1024x1024xf32, #tpu.memory_space<hbm>> -> memref<1x32x1024xf32, #tpu.memory_space<hbm>>
    %dma_start3A_271 = tpu.memref_squeeze %dma_start3A_270 : memref<1x32x1024xf32, #tpu.memory_space<hbm>> -> memref<32x1024xf32, #tpu.memory_space<hbm>>
    %dma_start3A_272 = arith.constant 0 : i32
    %dma_start3A_273 = tpu.memref_slice %arg6[%select_n3A, %add3A_268, %dma_start3A_272] : memref<4x1024x1024xf32, #tpu.memory_space<hbm>> -> memref<1x32x1024xf32, #tpu.memory_space<hbm>>
    %dma_start3A_274 = tpu.memref_squeeze %dma_start3A_273 : memref<1x32x1024xf32, #tpu.memory_space<hbm>> -> memref<32x1024xf32, #tpu.memory_space<hbm>>
    tpu.enqueue_dma source(%arg13 : memref<32x1024xf32, #tpu.memory_space<vmem>>) target(%dma_start3A_274 : memref<32x1024xf32, #tpu.memory_space<hbm>>) target_semaphore(%arg19 : memref<!tpu.dma_semaphore, #tpu.memory_space<semaphore_mem>>)
    %dma_wait3A_275 = arith.constant 0 : i32
    %dma_wait3A_276 = tpu.memref_slice %arg6[%select_n3A, %add3A_268, %dma_wait3A_275] : memref<4x1024x1024xf32, #tpu.memory_space<hbm>> -> memref<1x32x1024xf32, #tpu.memory_space<hbm>>
    %dma_wait3A_277 = tpu.memref_squeeze %dma_wait3A_276 : memref<1x32x1024xf32, #tpu.memory_space<hbm>> -> memref<32x1024xf32, #tpu.memory_space<hbm>>
    %dma_wait3A_278 = arith.constant 0 : i32
    %dma_wait3A_279 = tpu.memref_slice %arg6[%select_n3A, %add3A_268, %dma_wait3A_278] : memref<4x1024x1024xf32, #tpu.memory_space<hbm>> -> memref<1x32x1024xf32, #tpu.memory_space<hbm>>
    %dma_wait3A_280 = tpu.memref_squeeze %dma_wait3A_279 : memref<1x32x1024xf32, #tpu.memory_space<hbm>> -> memref<32x1024xf32, #tpu.memory_space<hbm>>
    tpu.wait_dma2 semaphore(%arg19 : memref<!tpu.dma_semaphore, #tpu.memory_space<semaphore_mem>>) src(%arg13 : memref<32x1024xf32, #tpu.memory_space<vmem>>) dst(%dma_wait3A_280 : memref<32x1024xf32, #tpu.memory_space<hbm>>)
    %dma_start3A_281 = arith.constant 96 : i32
    %dma_start3A_282 = tpu.memref_slice %arg10[%dma_start3A_281] : memref<128xi32, #tpu.memory_space<vmem>> -> memref<32xi32, #tpu.memory_space<vmem>>
    %dma_start3A_283 = arith.constant 0 : i32
    %dma_start3A_284 = arith.constant 0 : i32
    %dma_start3A_285 = tpu.memref_slice %arg2[%select_n3A, %dma_start3A_283, %dma_start3A_284] : memref<4x4096x1024xf32, #tpu.memory_space<hbm>> -> memref<1x4096x1024xf32, #tpu.memory_space<hbm>>
    %dma_start3A_286 = tpu.memref_squeeze %dma_start3A_285 : memref<1x4096x1024xf32, #tpu.memory_space<hbm>> -> memref<4096x1024xf32, #tpu.memory_space<hbm>>
    %dma_start3A_287 = arith.constant 0 : i32
    %dma_start3A_288 = arith.constant 0 : i32
    %dma_start3A_289 = tpu.memref_slice %dma_start3A_286[%dma_start3A_287, %dma_start3A_288] : memref<4096x1024xf32, #tpu.memory_space<hbm>> -> memref<4096x1024xf32, #tpu.memory_space<hbm>>
    tpu.enqueue_indirect_dma source(%dma_start3A_289 : memref<4096x1024xf32, #tpu.memory_space<hbm>>) target(%arg13 : memref<32x1024xf32, #tpu.memory_space<vmem>>) offsets(%dma_start3A_282 : memref<32xi32, #tpu.memory_space<vmem>>) semaphore(%arg16 : memref<!tpu.dma_semaphore, #tpu.memory_space<semaphore_mem>>)
    %dma_wait3A_290 = arith.constant 32 : i32
    %dma_wait3A_291 = tpu.memref_slice %arg10[%dma_wait3A_290] : memref<128xi32, #tpu.memory_space<vmem>> -> memref<32xi32, #tpu.memory_space<vmem>>
    %dma_wait3A_292 = arith.constant 0 : i32
    %dma_wait3A_293 = arith.constant 0 : i32
    %dma_wait3A_294 = tpu.memref_slice %arg2[%select_n3A, %dma_wait3A_292, %dma_wait3A_293] : memref<4x4096x1024xf32, #tpu.memory_space<hbm>> -> memref<1x4096x1024xf32, #tpu.memory_space<hbm>>
    %dma_wait3A_295 = tpu.memref_squeeze %dma_wait3A_294 : memref<1x4096x1024xf32, #tpu.memory_space<hbm>> -> memref<4096x1024xf32, #tpu.memory_space<hbm>>
    %dma_wait3A_296 = arith.constant 0 : i32
    %dma_wait3A_297 = arith.constant 0 : i32
    %dma_wait3A_298 = tpu.memref_slice %dma_wait3A_295[%dma_wait3A_296, %dma_wait3A_297] : memref<4096x1024xf32, #tpu.memory_space<hbm>> -> memref<4096x1024xf32, #tpu.memory_space<hbm>>
    tpu.wait_indirect_dma semaphore(%arg17 : memref<!tpu.dma_semaphore, #tpu.memory_space<semaphore_mem>>) src(%dma_wait3A_298 : memref<4096x1024xf32, #tpu.memory_space<hbm>>) dst(%arg14 : memref<32x1024xf32, #tpu.memory_space<vmem>>)
    %add3A_299 = arith.constant 32 : i32
    %add3A_300 = arith.addi %mul3A_32, %add3A_299 : i32
    %dma_start3A_301 = arith.constant 0 : i32
    %dma_start3A_302 = tpu.memref_slice %arg6[%select_n3A, %add3A_300, %dma_start3A_301] : memref<4x1024x1024xf32, #tpu.memory_space<hbm>> -> memref<1x32x1024xf32, #tpu.memory_space<hbm>>
    %dma_start3A_303 = tpu.memref_squeeze %dma_start3A_302 : memref<1x32x1024xf32, #tpu.memory_space<hbm>> -> memref<32x1024xf32, #tpu.memory_space<hbm>>
    %dma_start3A_304 = arith.constant 0 : i32
    %dma_start3A_305 = tpu.memref_slice %arg6[%select_n3A, %add3A_300, %dma_start3A_304] : memref<4x1024x1024xf32, #tpu.memory_space<hbm>> -> memref<1x32x1024xf32, #tpu.memory_space<hbm>>
    %dma_start3A_306 = tpu.memref_squeeze %dma_start3A_305 : memref<1x32x1024xf32, #tpu.memory_space<hbm>> -> memref<32x1024xf32, #tpu.memory_space<hbm>>
    tpu.enqueue_dma source(%arg14 : memref<32x1024xf32, #tpu.memory_space<vmem>>) target(%dma_start3A_306 : memref<32x1024xf32, #tpu.memory_space<hbm>>) target_semaphore(%arg20 : memref<!tpu.dma_semaphore, #tpu.memory_space<semaphore_mem>>)
    %dma_wait3A_307 = arith.constant 64 : i32
    %dma_wait3A_308 = tpu.memref_slice %arg10[%dma_wait3A_307] : memref<128xi32, #tpu.memory_space<vmem>> -> memref<32xi32, #tpu.memory_space<vmem>>
    %dma_wait3A_309 = arith.constant 0 : i32
    %dma_wait3A_310 = arith.constant 0 : i32
    %dma_wait3A_311 = tpu.memref_slice %arg2[%select_n3A, %dma_wait3A_309, %dma_wait3A_310] : memref<4x4096x1024xf32, #tpu.memory_space<hbm>> -> memref<1x4096x1024xf32, #tpu.memory_space<hbm>>
    %dma_wait3A_312 = tpu.memref_squeeze %dma_wait3A_311 : memref<1x4096x1024xf32, #tpu.memory_space<hbm>> -> memref<4096x1024xf32, #tpu.memory_space<hbm>>
    %dma_wait3A_313 = arith.constant 0 : i32
    %dma_wait3A_314 = arith.constant 0 : i32
    %dma_wait3A_315 = tpu.memref_slice %dma_wait3A_312[%dma_wait3A_313, %dma_wait3A_314] : memref<4096x1024xf32, #tpu.memory_space<hbm>> -> memref<4096x1024xf32, #tpu.memory_space<hbm>>
    tpu.wait_indirect_dma semaphore(%arg15 : memref<!tpu.dma_semaphore, #tpu.memory_space<semaphore_mem>>) src(%dma_wait3A_315 : memref<4096x1024xf32, #tpu.memory_space<hbm>>) dst(%arg12 : memref<32x1024xf32, #tpu.memory_space<vmem>>)
    %add3A_316 = arith.constant 64 : i32
    %add3A_317 = arith.addi %mul3A_32, %add3A_316 : i32
    %dma_start3A_318 = arith.constant 0 : i32
    %dma_start3A_319 = tpu.memref_slice %arg6[%select_n3A, %add3A_317, %dma_start3A_318] : memref<4x1024x1024xf32, #tpu.memory_space<hbm>> -> memref<1x32x1024xf32, #tpu.memory_space<hbm>>
    %dma_start3A_320 = tpu.memref_squeeze %dma_start3A_319 : memref<1x32x1024xf32, #tpu.memory_space<hbm>> -> memref<32x1024xf32, #tpu.memory_space<hbm>>
    %dma_start3A_321 = arith.constant 0 : i32
    %dma_start3A_322 = tpu.memref_slice %arg6[%select_n3A, %add3A_317, %dma_start3A_321] : memref<4x1024x1024xf32, #tpu.memory_space<hbm>> -> memref<1x32x1024xf32, #tpu.memory_space<hbm>>
    %dma_start3A_323 = tpu.memref_squeeze %dma_start3A_322 : memref<1x32x1024xf32, #tpu.memory_space<hbm>> -> memref<32x1024xf32, #tpu.memory_space<hbm>>
    tpu.enqueue_dma source(%arg12 : memref<32x1024xf32, #tpu.memory_space<vmem>>) target(%dma_start3A_323 : memref<32x1024xf32, #tpu.memory_space<hbm>>) target_semaphore(%arg18 : memref<!tpu.dma_semaphore, #tpu.memory_space<semaphore_mem>>)
    %dma_wait3A_324 = arith.constant 96 : i32
    %dma_wait3A_325 = tpu.memref_slice %arg10[%dma_wait3A_324] : memref<128xi32, #tpu.memory_space<vmem>> -> memref<32xi32, #tpu.memory_space<vmem>>
    %dma_wait3A_326 = arith.constant 0 : i32
    %dma_wait3A_327 = arith.constant 0 : i32
    %dma_wait3A_328 = tpu.memref_slice %arg2[%select_n3A, %dma_wait3A_326, %dma_wait3A_327] : memref<4x4096x1024xf32, #tpu.memory_space<hbm>> -> memref<1x4096x1024xf32, #tpu.memory_space<hbm>>
    %dma_wait3A_329 = tpu.memref_squeeze %dma_wait3A_328 : memref<1x4096x1024xf32, #tpu.memory_space<hbm>> -> memref<4096x1024xf32, #tpu.memory_space<hbm>>
    %dma_wait3A_330 = arith.constant 0 : i32
    %dma_wait3A_331 = arith.constant 0 : i32
    %dma_wait3A_332 = tpu.memref_slice %dma_wait3A_329[%dma_wait3A_330, %dma_wait3A_331] : memref<4096x1024xf32, #tpu.memory_space<hbm>> -> memref<4096x1024xf32, #tpu.memory_space<hbm>>
    tpu.wait_indirect_dma semaphore(%arg16 : memref<!tpu.dma_semaphore, #tpu.memory_space<semaphore_mem>>) src(%dma_wait3A_332 : memref<4096x1024xf32, #tpu.memory_space<hbm>>) dst(%arg13 : memref<32x1024xf32, #tpu.memory_space<vmem>>)
    %add3A_333 = arith.constant 96 : i32
    %add3A_334 = arith.addi %mul3A_32, %add3A_333 : i32
    %dma_start3A_335 = arith.constant 0 : i32
    %dma_start3A_336 = tpu.memref_slice %arg6[%select_n3A, %add3A_334, %dma_start3A_335] : memref<4x1024x1024xf32, #tpu.memory_space<hbm>> -> memref<1x32x1024xf32, #tpu.memory_space<hbm>>
    %dma_start3A_337 = tpu.memref_squeeze %dma_start3A_336 : memref<1x32x1024xf32, #tpu.memory_space<hbm>> -> memref<32x1024xf32, #tpu.memory_space<hbm>>
    %dma_start3A_338 = arith.constant 0 : i32
    %dma_start3A_339 = tpu.memref_slice %arg6[%select_n3A, %add3A_334, %dma_start3A_338] : memref<4x1024x1024xf32, #tpu.memory_space<hbm>> -> memref<1x32x1024xf32, #tpu.memory_space<hbm>>
    %dma_start3A_340 = tpu.memref_squeeze %dma_start3A_339 : memref<1x32x1024xf32, #tpu.memory_space<hbm>> -> memref<32x1024xf32, #tpu.memory_space<hbm>>
    tpu.enqueue_dma source(%arg13 : memref<32x1024xf32, #tpu.memory_space<vmem>>) target(%dma_start3A_340 : memref<32x1024xf32, #tpu.memory_space<hbm>>) target_semaphore(%arg19 : memref<!tpu.dma_semaphore, #tpu.memory_space<semaphore_mem>>)
    %dma_wait3A_341 = arith.constant 0 : i32
    %dma_wait3A_342 = tpu.memref_slice %arg6[%select_n3A, %add3A_300, %dma_wait3A_341] : memref<4x1024x1024xf32, #tpu.memory_space<hbm>> -> memref<1x32x1024xf32, #tpu.memory_space<hbm>>
    %dma_wait3A_343 = tpu.memref_squeeze %dma_wait3A_342 : memref<1x32x1024xf32, #tpu.memory_space<hbm>> -> memref<32x1024xf32, #tpu.memory_space<hbm>>
    %dma_wait3A_344 = arith.constant 0 : i32
    %dma_wait3A_345 = tpu.memref_slice %arg6[%select_n3A, %add3A_300, %dma_wait3A_344] : memref<4x1024x1024xf32, #tpu.memory_space<hbm>> -> memref<1x32x1024xf32, #tpu.memory_space<hbm>>
    %dma_wait3A_346 = tpu.memref_squeeze %dma_wait3A_345 : memref<1x32x1024xf32, #tpu.memory_space<hbm>> -> memref<32x1024xf32, #tpu.memory_space<hbm>>
    tpu.wait_dma2 semaphore(%arg20 : memref<!tpu.dma_semaphore, #tpu.memory_space<semaphore_mem>>) src(%arg14 : memref<32x1024xf32, #tpu.memory_space<vmem>>) dst(%dma_wait3A_346 : memref<32x1024xf32, #tpu.memory_space<hbm>>)
    %dma_wait3A_347 = arith.constant 0 : i32
    %dma_wait3A_348 = tpu.memref_slice %arg6[%select_n3A, %add3A_317, %dma_wait3A_347] : memref<4x1024x1024xf32, #tpu.memory_space<hbm>> -> memref<1x32x1024xf32, #tpu.memory_space<hbm>>
    %dma_wait3A_349 = tpu.memref_squeeze %dma_wait3A_348 : memref<1x32x1024xf32, #tpu.memory_space<hbm>> -> memref<32x1024xf32, #tpu.memory_space<hbm>>
    %dma_wait3A_350 = arith.constant 0 : i32
    %dma_wait3A_351 = tpu.memref_slice %arg6[%select_n3A, %add3A_317, %dma_wait3A_350] : memref<4x1024x1024xf32, #tpu.memory_space<hbm>> -> memref<1x32x1024xf32, #tpu.memory_space<hbm>>
    %dma_wait3A_352 = tpu.memref_squeeze %dma_wait3A_351 : memref<1x32x1024xf32, #tpu.memory_space<hbm>> -> memref<32x1024xf32, #tpu.memory_space<hbm>>
    tpu.wait_dma2 semaphore(%arg18 : memref<!tpu.dma_semaphore, #tpu.memory_space<semaphore_mem>>) src(%arg12 : memref<32x1024xf32, #tpu.memory_space<vmem>>) dst(%dma_wait3A_352 : memref<32x1024xf32, #tpu.memory_space<hbm>>)
    %dma_wait3A_353 = arith.constant 0 : i32
    %dma_wait3A_354 = tpu.memref_slice %arg6[%select_n3A, %add3A_334, %dma_wait3A_353] : memref<4x1024x1024xf32, #tpu.memory_space<hbm>> -> memref<1x32x1024xf32, #tpu.memory_space<hbm>>
    %dma_wait3A_355 = tpu.memref_squeeze %dma_wait3A_354 : memref<1x32x1024xf32, #tpu.memory_space<hbm>> -> memref<32x1024xf32, #tpu.memory_space<hbm>>
    %dma_wait3A_356 = arith.constant 0 : i32
    %dma_wait3A_357 = tpu.memref_slice %arg6[%select_n3A, %add3A_334, %dma_wait3A_356] : memref<4x1024x1024xf32, #tpu.memory_space<hbm>> -> memref<1x32x1024xf32, #tpu.memory_space<hbm>>
    %dma_wait3A_358 = tpu.memref_squeeze %dma_wait3A_357 : memref<1x32x1024xf32, #tpu.memory_space<hbm>> -> memref<32x1024xf32, #tpu.memory_space<hbm>>
    tpu.wait_dma2 semaphore(%arg19 : memref<!tpu.dma_semaphore, #tpu.memory_space<semaphore_mem>>) src(%arg13 : memref<32x1024xf32, #tpu.memory_space<vmem>>) dst(%dma_wait3A_358 : memref<32x1024xf32, #tpu.memory_space<hbm>>)
    return
  }
}

</mosaic_0001>

<sc_bundles>
// kernel: kernel.3.cloned.1.call-start
scs
__scs_entry_jumppad:
0x0: {  	(pc) =	sbr.rel $0x88, $3  }
0x1: {  	(tag) =	ssettag $0x0;
	lr =	simm.s32 $0x1  }
0x2: {  	[smem:$0x3F9D] =	sst lr;
	_ =	strace $0xD0000000  }
0x3: {  	_ = 	snop  }
0x4: {  	_ = 	snop  }
0x5: {  	_ = 	snop  }
0x6: {  	_ = 	snop  }
0x7: {  	_ = 	snop  }
__scs_overlays_trampoline_lowered:
0x8: {  	[smem:$0x3FAC] =	sst s0  }
0x9: {  	[smem:$0x3FAD] =	sst s1  }
0xa: {  	[smem:$0x3FAE] =	sst s2  }
0xb: {  	[smem:$0x3FAF] =	sst s3  }
0xc: {  	[smem:$0x3FB0] =	sst s4  }
0xd: {  	[smem:$0x3FB1] =	sst s5  }
0xe: {  	[smem:$0x3FB2] =	sst s6  }
0xf: {  	[smem:$0x3FB3] =	sst s7  }
0x10: {  	[smem:$0x3FB4] =	sst s8  }
0x11: {  	[smem:$0x3FB5] =	sst s9;
	s0 =	simm.s32 @!p0 $0x0  }
0x12: {  	s1 =	sld [smem:$0x3F9B];
	s0 =	simm.s32 @p0 $0x1  }
0x13: {  	[smem:$0x3FB6] =	sst s0;
	s0 =	simm.s32 @!p1 $0x0  }
0x14: {  	s2 =	sld [smem:$0x3F9A];
	s0 =	simm.s32 @p1 $0x1  }
0x15: {  	[smem:$0x3FB7] =	sst s0;
	s0 =	simm.s32 @!p2 $0x0  }
0x16: {  	s3 =	sld [smem:$0x3FDB];
	s0 =	simm.s32 @p2 $0x1  }
0x17: {  	s4 =	simm.s32 $0x1BF5;
	[smem:$0x3FB9] =	sst s0  }
0x18: {  	s0 =	sld [smem:$0x3F9C];
	_ =	swait.ge [sflag:s4], $0x0  }
0x19: {  	s7 =	sld [smem:$0x3F9D]  }
0x1a: {  	s8 =	sadd.s32 $0xFFFFE003, lr  }
0x1b: {  	s9 =	sadd.s32 $0xFFFFFEF7, lr;
	s5 =	simm.s32 $0xFFFFFFFF;
	p2 =	slt.u32 s8, $0xFFFFF086  }
0x1c: {  	p1 =	slt.u32 s9, $0xF7A;
	s5 =	simm.s32 @!p2 $0x0  }
0x1d: {  	s5 =	simm.s32 @p1 $0x1;
	p0 =	seq.s32 s7, s2  }
0x1e: {  	s7 =	smul.u32 @!p0 $0xF7A, s2;
	p2 =	seq.s32 @!p0 s5, $0x0  }
0x1f: {  	s9 =	smul.u32 $0xF7A, s1;
	s8 =	simm.s32 @!p0 $0x1BF5;
	p2 =	por !p2, p0  }
0x20: {  	[sflag:s8] =	ssyncset.s32 @!p0 $0xFFFFF086;
	s6 =	sadd.s32 @!p0 s3, s7;
	s7 =	simm.s32 @!p0 $0x108  }
0x21: {  	s3 =	sadd.s32 s3, s9;
	s6 =	sadd.s32 @!p0 $0x88, s6;
	s7 =	simm.s32 @p2 $0x1082  }
0x22: {  	[simem:s7], [sflag:s8] =	dma.local @!p0 [hbm:s6], $0xF7A  }
0x23: {  	s9 =	sor.u32 $0xD0000000, s2;
	s6 =	simm.s32 $0x108;
	_ =	swait.ge @!p0 [sflag:s8], $0x0  }
0x24: {  	s3 =	sadd.s32 $0x88, s3;
	s6 =	simm.s32 @!p1 $0x1082;
	[sflag:s4] =	ssyncset.s32 $0xFFFFF086  }
0x25: {  	[simem:s6], [sflag:s4] =	dma.local [hbm:s3], $0xF7A  }
0x26: {  	[smem:$0x3F9D] =	sst s1;
	(tag) =	ssettag s2;
	_ =	strace s9  }
0x27: {  	s1 =	sld [smem:$0x3FAD]  }
0x28: {  	s2 =	sld [smem:$0x3FAE]  }
0x29: {  	s4 =	sld [smem:$0x3FB0]  }
0x2a: {  	p0 =	seq.s32 s5, $0x0;
	s5 =	sld [smem:$0x3FB1]  }
0x2b: {  	s6 =	sld [smem:$0x3FB2]  }
0x2c: {  	s7 =	sld [smem:$0x3FB3]  }
0x2d: {  	s3 =	simm.s32 $0x108;
	s8 =	sld [smem:$0x3FB4]  }
0x2e: {  	s3 =	simm.s32 @!p0 $0x1082;
	s9 =	sld [smem:$0x3FB5]  }
0x2f: {  	lr =	sadd.s32 s0, s3;
	s0 =	sld [smem:$0x3FAC]  }
0x30: {  	s3 =	sld [smem:$0x3FAF]  }
0x31: {  	[smem:$0x3FB8] =	sst s10  }
0x32: {  	s10 =	sld [smem:$0x3FB6];
	_ =	sdelay $0x3  }
0x33: {  	p0 =	seq.s32 s10, $0x1;
	s10 =	sld [smem:$0x3FB8];
	_ =	sdelay $0x3  }
0x34: {  	[smem:$0x3FB8] =	sst s10  }
0x35: {  	s10 =	sld [smem:$0x3FB7];
	_ =	sdelay $0x3  }
0x36: {  	p1 =	seq.s32 s10, $0x1;
	s10 =	sld [smem:$0x3FB8];
	_ =	sdelay $0x3  }
0x37: {  	[smem:$0x3FB8] =	sst s10  }
0x38: {  	s10 =	sld [smem:$0x3FB9]  }
0x39: {  	_ = 	snop;
	(pc) =	sbr.ind lr, $3  }
0x3a: {  	_ = 	snop  }
0x3b: {  	_ = 	snop  }
0x3c: {  	p2 =	seq.s32 s10, $0x1;
	s10 =	sld [smem:$0x3FB8]  }
0x3d: {  	_ =	shalt  }
0x3e: {  	_ =	shalt  }
0x3f: {  	_ =	shalt  }
0x40: {  	_ =	shalt  }
0x41: {  	_ =	shalt  }
0x42: {  	_ =	shalt  }
0x43: {  	_ =	shalt  }
0x44: {  	_ =	shalt  }
0x45: {  	_ =	shalt  }
0x46: {  	_ =	shalt  }
0x47: {  	_ =	shalt  }
0x48: {  	_ =	shalt  }
0x49: {  	_ =	shalt  }
0x4a: {  	_ =	shalt  }
0x4b: {  	_ =	shalt  }
0x4c: {  	_ =	shalt  }
0x4d: {  	_ =	shalt  }
0x4e: {  	_ =	shalt  }
0x4f: {  	_ =	shalt  }
0x50: {  	_ =	shalt  }
0x51: {  	_ =	shalt  }
0x52: {  	_ =	shalt  }
0x53: {  	_ =	shalt  }
0x54: {  	_ =	shalt  }
0x55: {  	_ =	shalt  }
0x56: {  	_ =	shalt  }
0x57: {  	_ =	shalt  }
0x58: {  	_ =	shalt  }
0x59: {  	_ =	shalt  }
0x5a: {  	_ =	shalt  }
0x5b: {  	_ =	shalt  }
0x5c: {  	_ =	shalt  }
0x5d: {  	_ =	shalt  }
0x5e: {  	_ =	shalt  }
0x5f: {  	_ =	shalt  }
0x60: {  	_ =	shalt  }
0x61: {  	_ =	shalt  }
0x62: {  	_ =	shalt  }
0x63: {  	_ =	shalt  }
0x64: {  	_ =	shalt  }
0x65: {  	_ =	shalt  }
0x66: {  	_ =	shalt  }
0x67: {  	_ =	shalt  }
0x68: {  	_ =	shalt  }
0x69: {  	_ =	shalt  }
0x6a: {  	_ =	shalt  }
0x6b: {  	_ =	shalt  }
0x6c: {  	_ =	shalt  }
0x6d: {  	_ =	shalt  }
0x6e: {  	_ =	shalt  }
0x6f: {  	_ =	shalt  }
0x70: {  	_ =	shalt  }
0x71: {  	_ =	shalt  }
0x72: {  	_ =	shalt  }
0x73: {  	_ =	shalt  }
0x74: {  	_ =	shalt  }
0x75: {  	_ =	shalt  }
0x76: {  	_ =	shalt  }
0x77: {  	_ =	shalt  }
0x78: {  	_ =	shalt  }
0x79: {  	_ =	shalt  }
0x7a: {  	_ =	shalt  }
0x7b: {  	_ =	shalt  }
0x7c: {  	_ =	shalt  }
0x7d: {  	_ =	shalt  }
0x7e: {  	_ =	shalt  }
0x7f: {  	_ =	shalt  }
0x80: {  	_ =	shalt  }
0x81: {  	_ =	shalt  }
0x82: {  	_ =	shalt  }
0x83: {  	_ =	shalt  }
0x84: {  	_ =	shalt  }
0x85: {  	_ =	shalt  }
0x86: {  	_ =	shalt  }
0x87: {  	_ =	shalt  }
.Lfunc_end0:
.L_simem_size_0:
called_computation_lowered:
.L_overlay_start_0:
0x88: {  	s2 =	sld [smem:$0x3FD9]  }
0x89: {  	s3 =	sld [smem:$0x3FFE];
	_ =	sdelay $0x1  }
0x8a: {  	s1 =	srdreg.scid  }
0x8b: {  	s0 =	sand.u32 $0x1, s1  }
0x8c: {  	s14 =	sshll.u32 s0, $0xA;
	s2 =	sadd.s32 s3, s2  }
0x8d: {  	s2 =	sadd.s32 s2, s14  }
0x8e: {  	[smem:$0x3FC4] =	sst s2  }
0x8f: {  	_ = 	snop  }
0x90: {  	s2 =	sld [smem:$0x3FC9]  }
0x91: {  	s15 =	sld [smem:$0x3FD0]  }
0x92: {  	s4 =	sld [smem:$0x3FC8]  }
0x93: {  	s5 =	sld [smem:$0x3FC7]  }
0x94: {  	s7 =	simm.s32 $0xA;
	s8 =	simm.s32 $0x10;
	s6 =	sld [smem:$0x3FC6]  }
0x95: {  	[smem:s8], [sflag:s7] =	dma.local [hbm:s15], $0x1  }
0x96: {  	_ =	swait.eq [sflag:s7], $0x1  }
0x97: {  	[sflag:s7] =	ssyncset.done $0x0  }
0x98: {  	s16 =	sld [smem:$0x10];
	[sflag:s7] =	ssyncadd.s32 $0xFFFFFFFF  }
0x99: {  	s17 =	sld [smem:$0x11];
	(tm) =	ssettm $0x1  }
0x9a: {  	s18 =	sld [smem:$0x3FFB];
	_ =	sdelay $0x3  }
0x9b: {  	_ =	strace s18  }
0x9c: {  	s8 =	sld [smem:$0x3FFC];
	_ =	sdelay $0x3  }
0x9d: {  	_ =	strace s8  }
0x9e: {  	s8 =	sld [smem:$0x3FFD];
	_ =	sdelay $0x3  }
0x9f: {  	_ =	strace s8  }
0xa0: {  	_ =	strace $0x8FFFFFFF  }
0xa1: {  	s19 =	sld [smem:$0x3FDB];
	_ =	sdelay $0x1  }
0xa2: {  	s9 =	simm.s32 $_scs_section_size  }
0xa3: {  	s10 =	simm.s32 $_size__tile_overlayer_lowered;
	s11 =	simm.s32 $_tile_overlayer_lowered  }
0xa4: {  	s22 =	simm.s32 $0x1BFF;
	s21 =	sshll.u32 s11, $0x1;
	s8 =	sadd.s32 s9, s19  }
0xa5: {  	s12 =	simm.s32 $0x0;
	s20 =	sshll.u32 s10, $0x1;
	s10 =	sadd.s32 s21, s8  }
0xa6: {  	[timem:s12], [sflag:s22] =	dma.local [hbm:s10], s20  }
0xa7: {  	_ =	swait.ge [sflag:s22], s20  }
0xa8: {  	s9 =	ssub.s32 $0x0, s20;
	[sflag:s22] =	ssyncset.done $0x0  }
0xa9: {  	[sflag:s22] =	ssyncadd.s32 s9;
	_ =	sdelay $0x1  }
0xaa: {  	s23 =	simm.s32 $0x1B8B  }
0xab: {  	_ =	swait.ge [sflag:s23], $0x1  }
0xac: {  	[sflag:s23] =	ssyncset.done $0x0  }
0xad: {  	s25 =	simm.s32 $0x1B8E;
	s24 =	sld [smem:$0x3FFE];
	[sflag:s23] =	ssyncadd.s32 $0xFFFFFFFF  }
0xae: {  	s26 =	simm.s32 $execute0_lowered;
	[smem:$0x3FD2] =	sst s25  }
0xaf: {  	s10 =	sshll.u32 s26, $0x1;
	_ =	strace $0x80000046;
	[dreg:$0x1] =	wrdreg $0xFFFFFFFF  }
0xb0: {  	s28 =	simm.s32 $_size_execute0_lowered;
	s8 =	sadd.s32 s8, s10;
	[dreg:$0x0] =	wrdreg $0x0  }
0xb1: {  	s10 =	sshll.u32 s28, $0x1;
	[dreg:$0x2] =	wrdreg s8  }
0xb2: {  	[dreg:$0x3] =	wrdreg s10  }
0xb3: {  	[dreg:$0x4] =	wrdreg $0xC0  }
0xb4: {  	_ =	task [dreg:s12], $0x5FFFF  }
0xb5: {  	[dreg:$0x1] =	wrdreg $0xFFFFFFFF  }
0xb6: {  	[dreg:$0x0] =	wrdreg $0x60  }
0xb7: {  	[dreg:$0x2] =	wrdreg s2  }
0xb8: {  	[dreg:$0x3] =	wrdreg s4  }
0xb9: {  	[dreg:$0x4] =	wrdreg s5  }
0xba: {  	[dreg:$0x5] =	wrdreg s6  }
0xbb: {  	[dreg:$0x6] =	wrdreg s16  }
0xbc: {  	[dreg:$0x7] =	wrdreg s17  }
0xbd: {  	[dreg:$0x8] =	wrdreg s24  }
0xbe: {  	[dreg:$0x9] =	wrdreg $0x9  }
0xbf: {  	_ =	task.clear_ibuf [dreg:s12], $0xAFFFF;
	_ =	strace $0x90000046  }
0xc0: {  	s29 =	simm.s32 $0x9;
	_ =	strace $0x80000048  }
0xc1: {  	_ =	swait.ge [sflag:s29], $0x1  }
0xc2: {  	[sflag:s29] =	ssyncadd.s32 $0xFFFFFFFF  }
0xc3: {  	_ =	strace $0x90000048  }
0xc4: {  	_ =	sfence  }
0xc5: {  	s30 =	sld [smem:$0x0];
	_ =	sdelay $0x2  }
0xc6: {  	s31 =	sshll.u32 s1, $0xD;
	s1 =	sshrl.u32 s1, $0x2  }
0xc7: {  	s3 =	sand.u32 $0x4000, s31;
	s1 =	sadd.s32 s1, s30  }
0xc8: {  	s0 =	sor.u32 s3, s0;
	s1 =	sshll.u32 s1, $0x11  }
0xc9: {  	s0 =	sor.u32 s1, s0  }
0xca: {  	s0 =	sadd.s32 $0x8F2B, s0  }
0xcb: {  	[sflag:s0] =	ssyncadd.remote.s32 $0x1  }
0xcc: {  	_ =	sfence.sel $0xFFFF  }
0xcd: {  	[dreg:$0x0] =	wrdreg $0xFFFFFFFF;
	(pc) =	sbr.abs _section_cstart, $3  }
0xce: {  	[dreg:$0x1] =	wrdreg $0xFFFFFFFF  }
0xcf: {  	_ =	task.clear_ibuf [dreg:s12], $0x2FFFF;
	_ =	strace $0x9FFFFFFF  }
0xd0: {  	(tm) =	ssettm $0x7FFFFFFF  }
0xd1: {  	_ =	shalt  }
tec
execute0_lowered:
.L_overlay_start_1:
0x0: {  	(tag) =	ssettag $0x1  }
0x1: {  	s0 =	rddreg [dreg:$0x0]  }
0x2: {  	s1 =	rddreg [dreg:$0x1]  }
0x3: {  	s3 =	rddreg [dreg:$0x2]  }
0x4: {  	s4 =	rddreg [dreg:$0x3]  }
0x5: {  	s5 =	rddreg [dreg:$0x4]  }
0x6: {  	s6 =	rddreg [dreg:$0x5]  }
0x7: {  	s10 =	stileid.u32;
	s7 =	rddreg [dreg:$0x6]  }
0x8: {  	s2 =	srdreg.scid;
	s30 =	simm.s32 $0x80;
	s31 =	simm.s32 $0x100  }
0x9: {  	s28 =	simm.s32 $0x17180;
	s29 =	simm.s32 $0x17980;
	s8 =	sshll.u32 s10, $0x1  }
0xa: {  	s9 =	sand.u32 $0x1, s2;
	s2 =	simm.s32 $0x0;
	s10 =	sshrl.u32 s10, $0x2  }
0xb: {  	s8 =	sand.u32 $0x6, s8;
	[smem:$0x7FF] =	sst s2;
	s12 =	sshll.u32 s10, $0x4  }
0xc: {  	s13 =	sshll.u32 s10, $0x11;
	s21 =	ssub.s32 $0x2, s9;
	s26 =	sshll.u32 s10, $0x13  }
0xd: {  	s10 =	simm.s32 $0x13980;
	s8 =	sor.u32 s9, s8;
	_ =	strace $0x80000047  }
0xe: {  	s23 =	sshrl.u32 s21, $0x1;
	[dreg:$0x13] =	wrdreg s30;
	s11 =	sshll.u32 s8, $0x6  }
0xf: {  	[dreg:$0x14] =	wrdreg s31;
	s9 =	simm.s32 $0x13180;
	s11 =	sor.u32 s12, s11  }
0x10: {  	s8 =	sshll.u32 s8, $0xE;
	s7 =	sadd.s32 s11, s7;
	s3 =	sadd.s32 s3, s11  }
0x11: {  	s12 =	sadd.s32 s4, s11;
	s4 =	sor.u32 s13, s8;
	[dreg:$0x8] =	wrdreg s3  }
0x12: {  	s11 =	simm.s32 $0x14180;
	s13 =	simm.s32 $0x15180;
	[dreg:$0x9] =	wrdreg s12  }
0x13: {  	s14 =	sadd.s32 $0x800, s7;
	s15 =	sadd.s32 s6, s4;
	s16 =	sor.u32 $0x1000, s4  }
0x14: {  	s8 =	sor.u32 $0x2000, s4;
	s19 =	sor.u32 $0x3000, s4;
	s22 =	sadd.s32 s5, s4  }
0x15: {  	s3 =	sadd.s32 s1, s26;
	s4 =	sadd.s32 s0, s26;
	s1 =	simm.s32 $0x11180  }
0x16: {  	s7 =	simm.s32 $0x12180;
	s12 =	simm.s32 $0x14980;
	[dreg:$0xa] =	wrdreg s14  }
0x17: {  	s26 =	simm.s32 $0x16980;
	[dreg:$0xb] =	wrdreg s15;
	s17 =	sadd.s32 s6, s16  }
0x18: {  	s18 =	sadd.s32 s6, s8;
	s20 =	sadd.s32 s6, s19;
	[dreg:$0xf] =	wrdreg s22  }
0x19: {  	s24 =	sadd.s32 s5, s16;
	s6 =	ssub.s32 s21, s23;
	[dreg:$0xc] =	wrdreg s17  }
0x1a: {  	s25 =	sadd.s32 s5, s8;
	s5 =	sadd.s32 s5, s19;
	[dreg:$0xd] =	wrdreg s18  }
0x1b: {  	s15 =	simm.s32 $0x1;
	s16 =	simm.s32 $0x4;
	[dreg:$0xe] =	wrdreg s20  }
0x1c: {  	s23 =	simm.s32 $0x180;
	s19 =	simm.s32 $0x8180;
	[dreg:$0x10] =	wrdreg s24  }
0x1d: {  	v3 =	vlaneseq.u32;
	s8 =	simm.s32 $0x12980;
	s14 =	simm.s32 $0x15980;
	[dreg:$0x11] =	wrdreg s25  }
0x1e: {  	v0 =	vimm.s32 $0x0;
	vm0 =	vmmov $0xffff;
	v2 =	vshrl.u32 v3, $0x3;
	[dreg:$0x12] =	wrdreg s5;
	s5 =	smax.u32 s6, $0x1;
	s17 =	simm.s32 $0x2  }
0x1f: {  	v1 =	vand.u32 $0x7, v3;
	v3 =	vor.u32 $0x8, v3;
	v2 =	vmul.u32 $0x8, v2;
	s18 =	simm.s32 $0x5;
	s6 =	simm.s32 $0x11980;
	s20 =	simm.s32 $0x16180  }
.LBB2_1:
0x20: {  	s21 =	rddreg [dreg:$0x8];
	s0 =	simm.s32 $0x7  }
0x21: {  	[tilespmem:s2], [sflag:$0x7] =	stream.linear.gather [hbm4b:s21+s2], $0x80, $0x38;
	[tilespmem:$0x18180] =	vst v63  }
0x22: {  	_ =	swait.ge [sflag:s0], $0x80  }
0x23: {  	s25 =	rddreg [dreg:$0x9];
	[sflag:s0] =	ssyncset.done $0x0  }
0x24: {  	s22 =	rddreg [dreg:$0x13];
	[sflag:s0] =	ssyncadd.s32 $0xFFFFFF80  }
0x25: {  	[tilespmem:s22], [sflag:$0x7] =	stream.linear.gather [hbm4b:s25+s2], $0x80, $0x38;
	[tilespmem:$0x18180] =	vst v63  }
0x26: {  	_ =	swait.ge [sflag:s0], $0x80  }
0x27: {  	[sflag:s0] =	ssyncset.done $0x0  }
0x28: {  	[sflag:s0] =	ssyncadd.s32 $0xFFFFFF80  }
0x29: {  	v4 =	vld [tilespmem:$0x0]  }
0x2a: {  	v5 =	vld [tilespmem:$0x10]  }
0x2b: {  	v6 =	vld [tilespmem:$0x20]  }
0x2c: {  	v7 =	vld [tilespmem:$0x30]  }
0x2d: {  	v8 =	vld [tilespmem:$0x40]  }
0x2e: {  	vm1 =	vgt.s32 v4, $0x0;
	v4 =	vld [tilespmem:$0x50]  }
0x2f: {  	v9 =	vsel vm1, $0x1, v0;
	vm1 =	vgt.s32 v5, $0x0;
	v5 =	vld [tilespmem:$0x60]  }
0x30: {  	v61 =	vld [tilespmem:$0x70];
	[tilespmem:$0x100] =	vst v9;
	v60 =	vsel vm1, $0x1, v0;
	vm1 =	vgt.s32 v6, $0x0  }
0x31: {  	[tilespmem:$0x110] =	vst v60;
	v62 =	vsel vm1, $0x1, v0;
	vm1 =	vgt.s32 v7, $0x0  }
0x32: {  	[tilespmem:$0x120] =	vst v62;
	v7 =	vsel vm1, $0x1, v0;
	vm1 =	vgt.s32 v8, $0x0  }
0x33: {  	[tilespmem:$0x130] =	vst v7;
	v63 =	vsel vm1, $0x1, v0;
	vm1 =	vgt.s32 v4, $0x0  }
0x34: {  	[tilespmem:$0x140] =	vst v63;
	v4 =	vsel vm1, $0x1, v0;
	vm1 =	vgt.s32 v5, $0x0  }
0x35: {  	[tilespmem:$0x150] =	vst v4;
	v4 =	vsel vm1, $0x1, v0;
	vm1 =	vgt.s32 v61, $0x0  }
0x36: {  	s30 =	rddreg [dreg:$0xa];
	[tilespmem:$0x160] =	vst v4;
	v4 =	vsel vm1, $0x1, v0  }
0x37: {  	s31 =	rddreg [dreg:$0x14];
	[tilespmem:$0x170] =	vst v4  }
0x38: {  	[hbm4b:s30+s2] =	stream.linear.scatter [tilespmem:s31], [sflag:$0x7], $0x80, $0x38;
	[tilespmem:$0x18180] =	vst v63  }
0x39: {  	_ =	swait.ge [sflag:s0], $0x80  }
0x3a: {  	[sflag:s0] =	ssyncset.done $0x0  }
0x3b: {  	[sflag:s0] =	ssyncadd.s32 $0xFFFFFF80  }
0x3c: {  	v4 =	vld [tilespmem:$0x0];
	_ =	sdelay $0x4  }
0x3d: {  	v5 =	vshll.u32 v4, $0x3  }
0x3e: {  	v4 =	vand.u32 $0x7, v4;
	v5 =	vand.u32 $0xFFFFFFC0, v5  }
0x3f: {  	v4 =	vor.u32 v4, v5  }
0x40: {  	v5 =	vperm.xlane v4, v1;
	_ =	sdelay $0x1  }
0x41: {  	v5 =	vadd.s32 v2, v5;
	_ =	sdelay $0x4  }
0x42: {  	[tilespmem:s23], [sflag:$0x1] =	stream.indirect_vreg.gather [hbm4b:s3+s2], $0x80, v5, vm0, $0xb8;
	[tilespmem:$0x18180] =	vst v63  }
0x43: {  	s21 =	sadd.s32 $0x100, s3;
	s22 =	simm.s32 $0x980;
	v4 =	vperm.xlane v4, v3  }
0x44: {  	[tilespmem:s22], [sflag:$0x1] =	stream.indirect_vreg.gather [hbm4b:s21+s2], $0x80, v5, vm0, $0xb8;
	[tilespmem:$0x18180] =	vst v63  }
0x45: {  	s24 =	simm.s32 $0x1180;
	v4 =	vadd.s32 v2, v4;
	s22 =	sadd.s32 $0x200, s3  }
0x46: {  	[tilespmem:s24], [sflag:$0x1] =	stream.indirect_vreg.gather [hbm4b:s22+s2], $0x80, v5, vm0, $0xb8;
	[tilespmem:$0x18180] =	vst v63  }
0x47: {  	s25 =	simm.s32 $0x1980;
	s24 =	sadd.s32 $0x300, s3  }
0x48: {  	[tilespmem:s25], [sflag:$0x1] =	stream.indirect_vreg.gather [hbm4b:s24+s2], $0x80, v5, vm0, $0xb8;
	[tilespmem:$0x18180] =	vst v63  }
0x49: {  	s30 =	simm.s32 $0x2180  }
0x4a: {  	[tilespmem:s30], [sflag:$0x1] =	stream.indirect_vreg.gather [hbm4b:s3+s2], $0x80, v4, vm0, $0xb8;
	[tilespmem:$0x18180] =	vst v63  }
0x4b: {  	s31 =	simm.s32 $0x2980  }
0x4c: {  	[tilespmem:s31], [sflag:$0x1] =	stream.indirect_vreg.gather [hbm4b:s21+s2], $0x80, v4, vm0, $0xb8;
	[tilespmem:$0x18180] =	vst v63  }
0x4d: {  	s25 =	simm.s32 $0x3180  }
0x4e: {  	[tilespmem:s25], [sflag:$0x1] =	stream.indirect_vreg.gather [hbm4b:s22+s2], $0x80, v4, vm0, $0xb8;
	[tilespmem:$0x18180] =	vst v63  }
0x4f: {  	s30 =	simm.s32 $0x3980  }
0x50: {  	[tilespmem:s30], [sflag:$0x1] =	stream.indirect_vreg.gather [hbm4b:s24+s2], $0x80, v4, vm0, $0xb8;
	[tilespmem:$0x18180] =	vst v63  }
0x51: {  	v4 =	vld [tilespmem:$0x10];
	_ =	sdelay $0x4  }
0x52: {  	v5 =	vshll.u32 v4, $0x3  }
0x53: {  	v4 =	vand.u32 $0x7, v4;
	v5 =	vand.u32 $0xFFFFFFC0, v5  }
0x54: {  	v4 =	vor.u32 v4, v5  }
0x55: {  	v5 =	vperm.xlane v4, v1;
	_ =	sdelay $0x1  }
0x56: {  	v5 =	vadd.s32 v2, v5;
	_ =	sdelay $0x3  }
0x57: {  	s31 =	simm.s32 $0x4180  }
0x58: {  	[tilespmem:s31], [sflag:$0x1] =	stream.indirect_vreg.gather [hbm4b:s3+s2], $0x80, v5, vm0, $0xb8;
	[tilespmem:$0x18180] =	vst v63  }
0x59: {  	s25 =	simm.s32 $0x4980;
	v4 =	vperm.xlane v4, v3  }
0x5a: {  	[tilespmem:s25], [sflag:$0x1] =	stream.indirect_vreg.gather [hbm4b:s21+s2], $0x80, v5, vm0, $0xb8;
	[tilespmem:$0x18180] =	vst v63  }
0x5b: {  	v4 =	vadd.s32 v2, v4;
	s25 =	simm.s32 $0x5180  }
0x5c: {  	[tilespmem:s25], [sflag:$0x1] =	stream.indirect_vreg.gather [hbm4b:s22+s2], $0x80, v5, vm0, $0xb8;
	[tilespmem:$0x18180] =	vst v63  }
0x5d: {  	s25 =	simm.s32 $0x5980  }
0x5e: {  	[tilespmem:s25], [sflag:$0x1] =	stream.indirect_vreg.gather [hbm4b:s24+s2], $0x80, v5, vm0, $0xb8;
	[tilespmem:$0x18180] =	vst v63  }
0x5f: {  	s25 =	simm.s32 $0x6180  }
0x60: {  	[tilespmem:s25], [sflag:$0x1] =	stream.indirect_vreg.gather [hbm4b:s3+s2], $0x80, v4, vm0, $0xb8;
	[tilespmem:$0x18180] =	vst v63  }
0x61: {  	s25 =	simm.s32 $0x6980  }
0x62: {  	[tilespmem:s25], [sflag:$0x1] =	stream.indirect_vreg.gather [hbm4b:s21+s2], $0x80, v4, vm0, $0xb8;
	[tilespmem:$0x18180] =	vst v63  }
0x63: {  	s25 =	simm.s32 $0x7180  }
0x64: {  	[tilespmem:s25], [sflag:$0x1] =	stream.indirect_vreg.gather [hbm4b:s22+s2], $0x80, v4, vm0, $0xb8;
	[tilespmem:$0x18180] =	vst v63  }
0x65: {  	s25 =	simm.s32 $0x7980  }
0x66: {  	[tilespmem:s25], [sflag:$0x1] =	stream.indirect_vreg.gather [hbm4b:s24+s2], $0x80, v4, vm0, $0xb8;
	[tilespmem:$0x18180] =	vst v63  }
0x67: {  	v4 =	vld [tilespmem:$0x20];
	_ =	sdelay $0x4  }
0x68: {  	v5 =	vshll.u32 v4, $0x3  }
0x69: {  	v4 =	vand.u32 $0x7, v4;
	v5 =	vand.u32 $0xFFFFFFC0, v5  }
0x6a: {  	v4 =	vor.u32 v4, v5  }
0x6b: {  	v5 =	vperm.xlane v4, v1;
	_ =	sdelay $0x1  }
0x6c: {  	v5 =	vadd.s32 v2, v5;
	_ =	sdelay $0x4  }
0x6d: {  	[tilespmem:s19], [sflag:$0x2] =	stream.indirect_vreg.gather [hbm4b:s3+s2], $0x80, v5, vm0, $0xb8;
	[tilespmem:$0x18180] =	vst v63  }
0x6e: {  	s25 =	simm.s32 $0x8980;
	v4 =	vperm.xlane v4, v3  }
0x6f: {  	[tilespmem:s25], [sflag:$0x2] =	stream.indirect_vreg.gather [hbm4b:s21+s2], $0x80, v5, vm0, $0xb8;
	[tilespmem:$0x18180] =	vst v63  }
0x70: {  	v4 =	vadd.s32 v2, v4;
	s25 =	simm.s32 $0x9180  }
0x71: {  	[tilespmem:s25], [sflag:$0x2] =	stream.indirect_vreg.gather [hbm4b:s22+s2], $0x80, v5, vm0, $0xb8;
	[tilespmem:$0x18180] =	vst v63  }
0x72: {  	s25 =	simm.s32 $0x9980  }
0x73: {  	[tilespmem:s25], [sflag:$0x2] =	stream.indirect_vreg.gather [hbm4b:s24+s2], $0x80, v5, vm0, $0xb8;
	[tilespmem:$0x18180] =	vst v63  }
0x74: {  	s25 =	simm.s32 $0xA180  }
0x75: {  	[tilespmem:s25], [sflag:$0x2] =	stream.indirect_vreg.gather [hbm4b:s3+s2], $0x80, v4, vm0, $0xb8;
	[tilespmem:$0x18180] =	vst v63  }
0x76: {  	s25 =	simm.s32 $0xA980  }
0x77: {  	[tilespmem:s25], [sflag:$0x2] =	stream.indirect_vreg.gather [hbm4b:s21+s2], $0x80, v4, vm0, $0xb8;
	[tilespmem:$0x18180] =	vst v63  }
0x78: {  	s25 =	simm.s32 $0xB180  }
0x79: {  	[tilespmem:s25], [sflag:$0x2] =	stream.indirect_vreg.gather [hbm4b:s22+s2], $0x80, v4, vm0, $0xb8;
	[tilespmem:$0x18180] =	vst v63  }
0x7a: {  	s25 =	simm.s32 $0xB980  }
0x7b: {  	[tilespmem:s25], [sflag:$0x2] =	stream.indirect_vreg.gather [hbm4b:s24+s2], $0x80, v4, vm0, $0xb8;
	[tilespmem:$0x18180] =	vst v63  }
0x7c: {  	v4 =	vld [tilespmem:$0x30];
	_ =	sdelay $0x4  }
0x7d: {  	v5 =	vshll.u32 v4, $0x3  }
0x7e: {  	v4 =	vand.u32 $0x7, v4;
	v5 =	vand.u32 $0xFFFFFFC0, v5  }
0x7f: {  	v4 =	vor.u32 v4, v5  }
0x80: {  	v5 =	vperm.xlane v4, v1;
	_ =	sdelay $0x1  }
0x81: {  	v5 =	vadd.s32 v2, v5;
	_ =	sdelay $0x3  }
0x82: {  	s25 =	simm.s32 $0xC180  }
0x83: {  	[tilespmem:s25], [sflag:$0x2] =	stream.indirect_vreg.gather [hbm4b:s3+s2], $0x80, v5, vm0, $0xb8;
	[tilespmem:$0x18180] =	vst v63  }
0x84: {  	v4 =	vperm.xlane v4, v3;
	s25 =	simm.s32 $0xC980  }
0x85: {  	[tilespmem:s25], [sflag:$0x2] =	stream.indirect_vreg.gather [hbm4b:s21+s2], $0x80, v5, vm0, $0xb8;
	[tilespmem:$0x18180] =	vst v63  }
0x86: {  	v4 =	vadd.s32 v2, v4;
	s25 =	simm.s32 $0xD180  }
0x87: {  	[tilespmem:s25], [sflag:$0x2] =	stream.indirect_vreg.gather [hbm4b:s22+s2], $0x80, v5, vm0, $0xb8;
	[tilespmem:$0x18180] =	vst v63  }
0x88: {  	s25 =	simm.s32 $0xD980  }
0x89: {  	[tilespmem:s25], [sflag:$0x2] =	stream.indirect_vreg.gather [hbm4b:s24+s2], $0x80, v5, vm0, $0xb8;
	[tilespmem:$0x18180] =	vst v63  }
0x8a: {  	s25 =	simm.s32 $0xE180  }
0x8b: {  	[tilespmem:s25], [sflag:$0x2] =	stream.indirect_vreg.gather [hbm4b:s3+s2], $0x80, v4, vm0, $0xb8;
	[tilespmem:$0x18180] =	vst v63  }
0x8c: {  	s25 =	simm.s32 $0xE980  }
0x8d: {  	[tilespmem:s25], [sflag:$0x2] =	stream.indirect_vreg.gather [hbm4b:s21+s2], $0x80, v4, vm0, $0xb8;
	[tilespmem:$0x18180] =	vst v63  }
0x8e: {  	s25 =	simm.s32 $0xF180  }
0x8f: {  	[tilespmem:s25], [sflag:$0x2] =	stream.indirect_vreg.gather [hbm4b:s22+s2], $0x80, v4, vm0, $0xb8;
	[tilespmem:$0x18180] =	vst v63  }
0x90: {  	s25 =	simm.s32 $0xF980  }
0x91: {  	[tilespmem:s25], [sflag:$0x2] =	stream.indirect_vreg.gather [hbm4b:s24+s2], $0x80, v4, vm0, $0xb8;
	[tilespmem:$0x18180] =	vst v63  }
0x92: {  	v4 =	vld [tilespmem:$0x40];
	_ =	sdelay $0x4  }
0x93: {  	v5 =	vshll.u32 v4, $0x3  }
0x94: {  	v4 =	vand.u32 $0x7, v4;
	v5 =	vand.u32 $0xFFFFFFC0, v5  }
0x95: {  	v4 =	vor.u32 v4, v5  }
0x96: {  	v5 =	vperm.xlane v4, v1;
	_ =	sdelay $0x1  }
0x97: {  	v5 =	vadd.s32 v2, v5;
	_ =	sdelay $0x3  }
0x98: {  	s25 =	simm.s32 $0x10180  }
0x99: {  	[tilespmem:s25], [sflag:$0x3] =	stream.indirect_vreg.gather [hbm4b:s3+s2], $0x80, v5, vm0, $0xb8;
	[tilespmem:$0x18180] =	vst v63  }
0x9a: {  	v4 =	vperm.xlane v4, v3;
	s25 =	simm.s32 $0x10980  }
0x9b: {  	[tilespmem:s25], [sflag:$0x3] =	stream.indirect_vreg.gather [hbm4b:s21+s2], $0x80, v5, vm0, $0xb8;
	[tilespmem:$0x18180] =	vst v63  }
0x9c: {  	v4 =	vadd.s32 v2, v4  }
0x9d: {  	[tilespmem:s1], [sflag:$0x3] =	stream.indirect_vreg.gather [hbm4b:s22+s2], $0x80, v5, vm0, $0xb8;
	[tilespmem:$0x18180] =	vst v63  }
0x9e: {  	_ = 	snop  }
0x9f: {  	[tilespmem:s6], [sflag:$0x3] =	stream.indirect_vreg.gather [hbm4b:s24+s2], $0x80, v5, vm0, $0xb8;
	[tilespmem:$0x18180] =	vst v63  }
0xa0: {  	_ = 	snop  }
0xa1: {  	[tilespmem:s7], [sflag:$0x3] =	stream.indirect_vreg.gather [hbm4b:s3+s2], $0x80, v4, vm0, $0xb8;
	[tilespmem:$0x18180] =	vst v63  }
0xa2: {  	_ = 	snop  }
0xa3: {  	[tilespmem:s8], [sflag:$0x3] =	stream.indirect_vreg.gather [hbm4b:s21+s2], $0x80, v4, vm0, $0xb8;
	[tilespmem:$0x18180] =	vst v63  }
0xa4: {  	_ = 	snop  }
0xa5: {  	[tilespmem:s9], [sflag:$0x3] =	stream.indirect_vreg.gather [hbm4b:s22+s2], $0x80, v4, vm0, $0xb8;
	[tilespmem:$0x18180] =	vst v63  }
0xa6: {  	_ = 	snop  }
0xa7: {  	[tilespmem:s10], [sflag:$0x3] =	stream.indirect_vreg.gather [hbm4b:s24+s2], $0x80, v4, vm0, $0xb8;
	[tilespmem:$0x18180] =	vst v63  }
0xa8: {  	v4 =	vld [tilespmem:$0x50];
	_ =	sdelay $0x4  }
0xa9: {  	v5 =	vshll.u32 v4, $0x3  }
0xaa: {  	v4 =	vand.u32 $0x7, v4;
	v5 =	vand.u32 $0xFFFFFFC0, v5  }
0xab: {  	v4 =	vor.u32 v4, v5  }
0xac: {  	v5 =	vperm.xlane v4, v1;
	_ =	sdelay $0x1  }
0xad: {  	v5 =	vadd.s32 v2, v5;
	_ =	sdelay $0x4  }
0xae: {  	[tilespmem:s11], [sflag:$0x3] =	stream.indirect_vreg.gather [hbm4b:s3+s2], $0x80, v5, vm0, $0xb8;
	[tilespmem:$0x18180] =	vst v63  }
0xaf: {  	v4 =	vperm.xlane v4, v3  }
0xb0: {  	[tilespmem:s12], [sflag:$0x3] =	stream.indirect_vreg.gather [hbm4b:s21+s2], $0x80, v5, vm0, $0xb8;
	[tilespmem:$0x18180] =	vst v63  }
0xb1: {  	v4 =	vadd.s32 v2, v4  }
0xb2: {  	[tilespmem:s13], [sflag:$0x3] =	stream.indirect_vreg.gather [hbm4b:s22+s2], $0x80, v5, vm0, $0xb8;
	[tilespmem:$0x18180] =	vst v63  }
0xb3: {  	_ = 	snop  }
0xb4: {  	[tilespmem:s14], [sflag:$0x3] =	stream.indirect_vreg.gather [hbm4b:s24+s2], $0x80, v5, vm0, $0xb8;
	[tilespmem:$0x18180] =	vst v63  }
0xb5: {  	_ = 	snop  }
0xb6: {  	[tilespmem:s20], [sflag:$0x3] =	stream.indirect_vreg.gather [hbm4b:s3+s2], $0x80, v4, vm0, $0xb8;
	[tilespmem:$0x18180] =	vst v63  }
0xb7: {  	_ = 	snop  }
0xb8: {  	[tilespmem:s26], [sflag:$0x3] =	stream.indirect_vreg.gather [hbm4b:s21+s2], $0x80, v4, vm0, $0xb8;
	[tilespmem:$0x18180] =	vst v63  }
0xb9: {  	_ = 	snop  }
0xba: {  	[tilespmem:s28], [sflag:$0x3] =	stream.indirect_vreg.gather [hbm4b:s22+s2], $0x80, v4, vm0, $0xb8;
	[tilespmem:$0x18180] =	vst v63  }
0xbb: {  	_ = 	snop  }
0xbc: {  	[tilespmem:s29], [sflag:$0x3] =	stream.indirect_vreg.gather [hbm4b:s24+s2], $0x80, v4, vm0, $0xb8;
	[tilespmem:$0x18180] =	vst v63  }
0xbd: {  	_ =	swait.ge [sflag:s15], $0x8000  }
0xbe: {  	[sflag:s15] =	ssyncset.done $0x0  }
0xbf: {  	s25 =	rddreg [dreg:$0xb];
	[sflag:s15] =	ssyncadd.s32 $0xFFFF8000  }
0xc0: {  	[hbm4b:s25+s2] =	stream.linear.scatter [tilespmem:s23], [sflag:$0x4], $0x8000, $0x38;
	[tilespmem:$0x18180] =	vst v63  }
0xc1: {  	_ =	swait.ge [sflag:s16], $0x8000  }
0xc2: {  	[sflag:s16] =	ssyncset.done $0x0  }
0xc3: {  	[sflag:s16] =	ssyncadd.s32 $0xFFFF8000  }
0xc4: {  	v4 =	vld [tilespmem:$0x60];
	_ =	sdelay $0x4  }
0xc5: {  	v5 =	vshll.u32 v4, $0x3  }
0xc6: {  	v4 =	vand.u32 $0x7, v4;
	v5 =	vand.u32 $0xFFFFFFC0, v5  }
0xc7: {  	v4 =	vor.u32 v4, v5  }
0xc8: {  	v5 =	vperm.xlane v4, v1;
	_ =	sdelay $0x1  }
0xc9: {  	v5 =	vadd.s32 v2, v5;
	_ =	sdelay $0x4  }
0xca: {  	[tilespmem:s23], [sflag:$0x1] =	stream.indirect_vreg.gather [hbm4b:s3+s2], $0x80, v5, vm0, $0xb8;
	[tilespmem:$0x18180] =	vst v63  }
0xcb: {  	s25 =	simm.s32 $0x980;
	v4 =	vperm.xlane v4, v3  }
0xcc: {  	[tilespmem:s25], [sflag:$0x1] =	stream.indirect_vreg.gather [hbm4b:s21+s2], $0x80, v5, vm0, $0xb8;
	[tilespmem:$0x18180] =	vst v63  }
0xcd: {  	v4 =	vadd.s32 v2, v4;
	s25 =	simm.s32 $0x1180  }
0xce: {  	[tilespmem:s25], [sflag:$0x1] =	stream.indirect_vreg.gather [hbm4b:s22+s2], $0x80, v5, vm0, $0xb8;
	[tilespmem:$0x18180] =	vst v63  }
0xcf: {  	s25 =	simm.s32 $0x1980  }
0xd0: {  	[tilespmem:s25], [sflag:$0x1] =	stream.indirect_vreg.gather [hbm4b:s24+s2], $0x80, v5, vm0, $0xb8;
	[tilespmem:$0x18180] =	vst v63  }
0xd1: {  	s25 =	simm.s32 $0x2180  }
0xd2: {  	[tilespmem:s25], [sflag:$0x1] =	stream.indirect_vreg.gather [hbm4b:s3+s2], $0x80, v4, vm0, $0xb8;
	[tilespmem:$0x18180] =	vst v63  }
0xd3: {  	s25 =	simm.s32 $0x2980  }
0xd4: {  	[tilespmem:s25], [sflag:$0x1] =	stream.indirect_vreg.gather [hbm4b:s21+s2], $0x80, v4, vm0, $0xb8;
	[tilespmem:$0x18180] =	vst v63  }
0xd5: {  	s25 =	simm.s32 $0x3180  }
0xd6: {  	[tilespmem:s25], [sflag:$0x1] =	stream.indirect_vreg.gather [hbm4b:s22+s2], $0x80, v4, vm0, $0xb8;
	[tilespmem:$0x18180] =	vst v63  }
0xd7: {  	s30 =	simm.s32 $0x3980  }
0xd8: {  	[tilespmem:s30], [sflag:$0x1] =	stream.indirect_vreg.gather [hbm4b:s24+s2], $0x80, v4, vm0, $0xb8;
	[tilespmem:$0x18180] =	vst v63  }
0xd9: {  	v4 =	vld [tilespmem:$0x70];
	_ =	sdelay $0x4  }
0xda: {  	v5 =	vshll.u32 v4, $0x3  }
0xdb: {  	v4 =	vand.u32 $0x7, v4;
	v5 =	vand.u32 $0xFFFFFFC0, v5  }
0xdc: {  	v4 =	vor.u32 v4, v5  }
0xdd: {  	v5 =	vperm.xlane v4, v1;
	_ =	sdelay $0x1  }
0xde: {  	v5 =	vadd.s32 v2, v5;
	_ =	sdelay $0x3  }
0xdf: {  	s31 =	simm.s32 $0x4180  }
0xe0: {  	[tilespmem:s31], [sflag:$0x1] =	stream.indirect_vreg.gather [hbm4b:s3+s2], $0x80, v5, vm0, $0xb8;
	[tilespmem:$0x18180] =	vst v63  }
0xe1: {  	s30 =	simm.s32 $0x4980;
	v4 =	vperm.xlane v4, v3  }
0xe2: {  	[tilespmem:s30], [sflag:$0x1] =	stream.indirect_vreg.gather [hbm4b:s21+s2], $0x80, v5, vm0, $0xb8;
	[tilespmem:$0x18180] =	vst v63  }
0xe3: {  	v4 =	vadd.s32 v2, v4;
	s31 =	simm.s32 $0x5180  }
0xe4: {  	[tilespmem:s31], [sflag:$0x1] =	stream.indirect_vreg.gather [hbm4b:s22+s2], $0x80, v5, vm0, $0xb8;
	[tilespmem:$0x18180] =	vst v63  }
0xe5: {  	s25 =	simm.s32 $0x5980  }
0xe6: {  	[tilespmem:s25], [sflag:$0x1] =	stream.indirect_vreg.gather [hbm4b:s24+s2], $0x80, v5, vm0, $0xb8;
	[tilespmem:$0x18180] =	vst v63  }
0xe7: {  	s30 =	simm.s32 $0x6180  }
0xe8: {  	[tilespmem:s30], [sflag:$0x1] =	stream.indirect_vreg.gather [hbm4b:s3+s2], $0x80, v4, vm0, $0xb8;
	[tilespmem:$0x18180] =	vst v63  }
0xe9: {  	s31 =	simm.s32 $0x6980  }
0xea: {  	[tilespmem:s31], [sflag:$0x1] =	stream.indirect_vreg.gather [hbm4b:s21+s2], $0x80, v4, vm0, $0xb8;
	[tilespmem:$0x18180] =	vst v63  }
0xeb: {  	s21 =	simm.s32 $0x7180  }
0xec: {  	[tilespmem:s21], [sflag:$0x1] =	stream.indirect_vreg.gather [hbm4b:s22+s2], $0x80, v4, vm0, $0xb8;
	[tilespmem:$0x18180] =	vst v63  }
0xed: {  	s22 =	simm.s32 $0x7980  }
0xee: {  	[tilespmem:s22], [sflag:$0x1] =	stream.indirect_vreg.gather [hbm4b:s24+s2], $0x80, v4, vm0, $0xb8;
	[tilespmem:$0x18180] =	vst v63  }
0xef: {  	_ =	swait.ge [sflag:s17], $0x8000  }
0xf0: {  	[sflag:s17] =	ssyncset.done $0x0  }
0xf1: {  	s25 =	rddreg [dreg:$0xc];
	[sflag:s17] =	ssyncadd.s32 $0xFFFF8000  }
0xf2: {  	[hbm4b:s25+s2] =	stream.linear.scatter [tilespmem:s19], [sflag:$0x5], $0x8000, $0x38;
	[tilespmem:$0x18180] =	vst v63  }
0xf3: {  	_ =	swait.ge [sflag:s18], $0x8000  }
0xf4: {  	[sflag:s18] =	ssyncset.done $0x0  }
0xf5: {  	[sflag:s18] =	ssyncadd.s32 $0xFFFF8000  }
0xf6: {  	v4 =	vld [tilespmem:$0x80];
	_ =	sdelay $0x4  }
0xf7: {  	v5 =	vshll.u32 v4, $0x3  }
0xf8: {  	v4 =	vand.u32 $0x7, v4;
	v5 =	vand.u32 $0xFFFFFFC0, v5  }
0xf9: {  	v4 =	vor.u32 v4, v5  }
0xfa: {  	v5 =	vperm.xlane v4, v1;
	_ =	sdelay $0x1  }
0xfb: {  	v5 =	vadd.s32 v2, v5;
	_ =	sdelay $0x4  }
0xfc: {  	[tilespmem:s19], [sflag:$0x2] =	stream.indirect_vreg.gather [hbm4b:s4+s2], $0x80, v5, vm0, $0xb8;
	[tilespmem:$0x18180] =	vst v63  }
0xfd: {  	s30 =	simm.s32 $0x8980;
	s21 =	sadd.s32 $0x100, s4;
	v4 =	vperm.xlane v4, v3  }
0xfe: {  	[tilespmem:s30], [sflag:$0x2] =	stream.indirect_vreg.gather [hbm4b:s21+s2], $0x80, v5, vm0, $0xb8;
	[tilespmem:$0x18180] =	vst v63  }
0xff: {  	s31 =	simm.s32 $0x9180;
	s22 =	sadd.s32 $0x200, s4;
	v4 =	vadd.s32 v2, v4  }
0x100: {  	[tilespmem:s31], [sflag:$0x2] =	stream.indirect_vreg.gather [hbm4b:s22+s2], $0x80, v5, vm0, $0xb8;
	[tilespmem:$0x18180] =	vst v63  }
0x101: {  	s0 =	simm.s32 $0x9980;
	s24 =	sadd.s32 $0x300, s4  }
0x102: {  	[tilespmem:s0], [sflag:$0x2] =	stream.indirect_vreg.gather [hbm4b:s24+s2], $0x80, v5, vm0, $0xb8;
	[tilespmem:$0x18180] =	vst v63  }
0x103: {  	s30 =	simm.s32 $0xA180  }
0x104: {  	[tilespmem:s30], [sflag:$0x2] =	stream.indirect_vreg.gather [hbm4b:s4+s2], $0x80, v4, vm0, $0xb8;
	[tilespmem:$0x18180] =	vst v63  }
0x105: {  	s31 =	simm.s32 $0xA980  }
0x106: {  	[tilespmem:s31], [sflag:$0x2] =	stream.indirect_vreg.gather [hbm4b:s21+s2], $0x80, v4, vm0, $0xb8;
	[tilespmem:$0x18180] =	vst v63  }
0x107: {  	s0 =	simm.s32 $0xB180  }
0x108: {  	[tilespmem:s0], [sflag:$0x2] =	stream.indirect_vreg.gather [hbm4b:s22+s2], $0x80, v4, vm0, $0xb8;
	[tilespmem:$0x18180] =	vst v63  }
0x109: {  	s30 =	simm.s32 $0xB980  }
0x10a: {  	[tilespmem:s30], [sflag:$0x2] =	stream.indirect_vreg.gather [hbm4b:s24+s2], $0x80, v4, vm0, $0xb8;
	[tilespmem:$0x18180] =	vst v63  }
0x10b: {  	v4 =	vld [tilespmem:$0x90];
	_ =	sdelay $0x4  }
0x10c: {  	v5 =	vshll.u32 v4, $0x3  }
0x10d: {  	v4 =	vand.u32 $0x7, v4;
	v5 =	vand.u32 $0xFFFFFFC0, v5  }
0x10e: {  	v4 =	vor.u32 v4, v5  }
0x10f: {  	v5 =	vperm.xlane v4, v1;
	_ =	sdelay $0x1  }
0x110: {  	v5 =	vadd.s32 v2, v5;
	_ =	sdelay $0x3  }
0x111: {  	s31 =	simm.s32 $0xC180  }
0x112: {  	[tilespmem:s31], [sflag:$0x2] =	stream.indirect_vreg.gather [hbm4b:s4+s2], $0x80, v5, vm0, $0xb8;
	[tilespmem:$0x18180] =	vst v63  }
0x113: {  	s0 =	simm.s32 $0xC980;
	v4 =	vperm.xlane v4, v3  }
0x114: {  	[tilespmem:s0], [sflag:$0x2] =	stream.indirect_vreg.gather [hbm4b:s21+s2], $0x80, v5, vm0, $0xb8;
	[tilespmem:$0x18180] =	vst v63  }
0x115: {  	s30 =	simm.s32 $0xD180;
	v4 =	vadd.s32 v2, v4  }
0x116: {  	[tilespmem:s30], [sflag:$0x2] =	stream.indirect_vreg.gather [hbm4b:s22+s2], $0x80, v5, vm0, $0xb8;
	[tilespmem:$0x18180] =	vst v63  }
0x117: {  	s31 =	simm.s32 $0xD980  }
0x118: {  	[tilespmem:s31], [sflag:$0x2] =	stream.indirect_vreg.gather [hbm4b:s24+s2], $0x80, v5, vm0, $0xb8;
	[tilespmem:$0x18180] =	vst v63  }
0x119: {  	s0 =	simm.s32 $0xE180  }
0x11a: {  	[tilespmem:s0], [sflag:$0x2] =	stream.indirect_vreg.gather [hbm4b:s4+s2], $0x80, v4, vm0, $0xb8;
	[tilespmem:$0x18180] =	vst v63  }
0x11b: {  	s30 =	simm.s32 $0xE980  }
0x11c: {  	[tilespmem:s30], [sflag:$0x2] =	stream.indirect_vreg.gather [hbm4b:s21+s2], $0x80, v4, vm0, $0xb8;
	[tilespmem:$0x18180] =	vst v63  }
0x11d: {  	s31 =	simm.s32 $0xF180  }
0x11e: {  	[tilespmem:s31], [sflag:$0x2] =	stream.indirect_vreg.gather [hbm4b:s22+s2], $0x80, v4, vm0, $0xb8;
	[tilespmem:$0x18180] =	vst v63  }
0x11f: {  	s0 =	simm.s32 $0xF980;
	s31 =	simm.s32 $0x3  }
0x120: {  	[tilespmem:s0], [sflag:$0x2] =	stream.indirect_vreg.gather [hbm4b:s24+s2], $0x80, v4, vm0, $0xb8;
	[tilespmem:$0x18180] =	vst v63  }
0x121: {  	_ =	swait.ge [sflag:s31], $0x8000  }
0x122: {  	[sflag:s31] =	ssyncset.done $0x0  }
0x123: {  	s0 =	simm.s32 $0x10180;
	s30 =	rddreg [dreg:$0xd];
	[sflag:s31] =	ssyncadd.s32 $0xFFFF8000  }
0x124: {  	[hbm4b:s30+s2] =	stream.linear.scatter [tilespmem:s0], [sflag:$0x6], $0x8000, $0x38;
	[tilespmem:$0x18180] =	vst v63  }
0x125: {  	s30 =	simm.s32 $0x6  }
0x126: {  	_ =	swait.ge [sflag:s30], $0x8000  }
0x127: {  	[sflag:s30] =	ssyncset.done $0x0  }
0x128: {  	[sflag:s30] =	ssyncadd.s32 $0xFFFF8000  }
0x129: {  	v4 =	vld [tilespmem:$0xA0];
	_ =	sdelay $0x4  }
0x12a: {  	v5 =	vshll.u32 v4, $0x3  }
0x12b: {  	v4 =	vand.u32 $0x7, v4;
	v5 =	vand.u32 $0xFFFFFFC0, v5  }
0x12c: {  	v4 =	vor.u32 v4, v5  }
0x12d: {  	v5 =	vperm.xlane v4, v1;
	_ =	sdelay $0x1  }
0x12e: {  	v5 =	vadd.s32 v2, v5;
	_ =	sdelay $0x4  }
0x12f: {  	[tilespmem:s0], [sflag:$0x3] =	stream.indirect_vreg.gather [hbm4b:s4+s2], $0x80, v5, vm0, $0xb8;
	[tilespmem:$0x18180] =	vst v63  }
0x130: {  	s25 =	simm.s32 $0x10980;
	v4 =	vperm.xlane v4, v3  }
0x131: {  	[tilespmem:s25], [sflag:$0x3] =	stream.indirect_vreg.gather [hbm4b:s21+s2], $0x80, v5, vm0, $0xb8;
	[tilespmem:$0x18180] =	vst v63  }
0x132: {  	v4 =	vadd.s32 v2, v4  }
0x133: {  	[tilespmem:s1], [sflag:$0x3] =	stream.indirect_vreg.gather [hbm4b:s22+s2], $0x80, v5, vm0, $0xb8;
	[tilespmem:$0x18180] =	vst v63  }
0x134: {  	_ = 	snop  }
0x135: {  	[tilespmem:s6], [sflag:$0x3] =	stream.indirect_vreg.gather [hbm4b:s24+s2], $0x80, v5, vm0, $0xb8;
	[tilespmem:$0x18180] =	vst v63  }
0x136: {  	_ = 	snop  }
0x137: {  	[tilespmem:s7], [sflag:$0x3] =	stream.indirect_vreg.gather [hbm4b:s4+s2], $0x80, v4, vm0, $0xb8;
	[tilespmem:$0x18180] =	vst v63  }
0x138: {  	_ = 	snop  }
0x139: {  	[tilespmem:s8], [sflag:$0x3] =	stream.indirect_vreg.gather [hbm4b:s21+s2], $0x80, v4, vm0, $0xb8;
	[tilespmem:$0x18180] =	vst v63  }
0x13a: {  	_ = 	snop  }
0x13b: {  	[tilespmem:s9], [sflag:$0x3] =	stream.indirect_vreg.gather [hbm4b:s22+s2], $0x80, v4, vm0, $0xb8;
	[tilespmem:$0x18180] =	vst v63  }
0x13c: {  	_ = 	snop  }
0x13d: {  	[tilespmem:s10], [sflag:$0x3] =	stream.indirect_vreg.gather [hbm4b:s24+s2], $0x80, v4, vm0, $0xb8;
	[tilespmem:$0x18180] =	vst v63  }
0x13e: {  	v4 =	vld [tilespmem:$0xB0];
	_ =	sdelay $0x4  }
0x13f: {  	v5 =	vshll.u32 v4, $0x3  }
0x140: {  	v4 =	vand.u32 $0x7, v4;
	v5 =	vand.u32 $0xFFFFFFC0, v5  }
0x141: {  	v4 =	vor.u32 v4, v5  }
0x142: {  	v5 =	vperm.xlane v4, v1;
	_ =	sdelay $0x1  }
0x143: {  	v5 =	vadd.s32 v2, v5;
	_ =	sdelay $0x4  }
0x144: {  	[tilespmem:s11], [sflag:$0x3] =	stream.indirect_vreg.gather [hbm4b:s4+s2], $0x80, v5, vm0, $0xb8;
	[tilespmem:$0x18180] =	vst v63  }
0x145: {  	v4 =	vperm.xlane v4, v3  }
0x146: {  	[tilespmem:s12], [sflag:$0x3] =	stream.indirect_vreg.gather [hbm4b:s21+s2], $0x80, v5, vm0, $0xb8;
	[tilespmem:$0x18180] =	vst v63  }
0x147: {  	v4 =	vadd.s32 v2, v4  }
0x148: {  	[tilespmem:s13], [sflag:$0x3] =	stream.indirect_vreg.gather [hbm4b:s22+s2], $0x80, v5, vm0, $0xb8;
	[tilespmem:$0x18180] =	vst v63  }
0x149: {  	_ = 	snop  }
0x14a: {  	[tilespmem:s14], [sflag:$0x3] =	stream.indirect_vreg.gather [hbm4b:s24+s2], $0x80, v5, vm0, $0xb8;
	[tilespmem:$0x18180] =	vst v63  }
0x14b: {  	_ = 	snop  }
0x14c: {  	[tilespmem:s20], [sflag:$0x3] =	stream.indirect_vreg.gather [hbm4b:s4+s2], $0x80, v4, vm0, $0xb8;
	[tilespmem:$0x18180] =	vst v63  }
0x14d: {  	_ = 	snop  }
0x14e: {  	[tilespmem:s26], [sflag:$0x3] =	stream.indirect_vreg.gather [hbm4b:s21+s2], $0x80, v4, vm0, $0xb8;
	[tilespmem:$0x18180] =	vst v63  }
0x14f: {  	_ = 	snop  }
0x150: {  	[tilespmem:s28], [sflag:$0x3] =	stream.indirect_vreg.gather [hbm4b:s22+s2], $0x80, v4, vm0, $0xb8;
	[tilespmem:$0x18180] =	vst v63  }
0x151: {  	_ = 	snop  }
0x152: {  	[tilespmem:s29], [sflag:$0x3] =	stream.indirect_vreg.gather [hbm4b:s24+s2], $0x80, v4, vm0, $0xb8;
	[tilespmem:$0x18180] =	vst v63  }
0x153: {  	_ =	swait.ge [sflag:s15], $0x8000  }
0x154: {  	[sflag:s15] =	ssyncset.done $0x0  }
0x155: {  	s0 =	rddreg [dreg:$0xe];
	[sflag:s15] =	ssyncadd.s32 $0xFFFF8000  }
0x156: {  	[hbm4b:s0+s2] =	stream.linear.scatter [tilespmem:s23], [sflag:$0x4], $0x8000, $0x38;
	[tilespmem:$0x18180] =	vst v63  }
0x157: {  	_ =	swait.ge [sflag:s16], $0x8000  }
0x158: {  	[sflag:s16] =	ssyncset.done $0x0  }
0x159: {  	[sflag:s16] =	ssyncadd.s32 $0xFFFF8000  }
0x15a: {  	v4 =	vld [tilespmem:$0xC0];
	_ =	sdelay $0x4  }
0x15b: {  	v5 =	vshll.u32 v4, $0x3  }
0x15c: {  	v4 =	vand.u32 $0x7, v4;
	v5 =	vand.u32 $0xFFFFFFC0, v5  }
0x15d: {  	v4 =	vor.u32 v4, v5  }
0x15e: {  	v5 =	vperm.xlane v4, v1;
	_ =	sdelay $0x1  }
0x15f: {  	v5 =	vadd.s32 v2, v5;
	_ =	sdelay $0x4  }
0x160: {  	[tilespmem:s23], [sflag:$0x1] =	stream.indirect_vreg.gather [hbm4b:s4+s2], $0x80, v5, vm0, $0xb8;
	[tilespmem:$0x18180] =	vst v63  }
0x161: {  	s25 =	simm.s32 $0x980;
	v4 =	vperm.xlane v4, v3  }
0x162: {  	[tilespmem:s25], [sflag:$0x1] =	stream.indirect_vreg.gather [hbm4b:s21+s2], $0x80, v5, vm0, $0xb8;
	[tilespmem:$0x18180] =	vst v63  }
0x163: {  	v4 =	vadd.s32 v2, v4;
	s25 =	simm.s32 $0x1180  }
0x164: {  	[tilespmem:s25], [sflag:$0x1] =	stream.indirect_vreg.gather [hbm4b:s22+s2], $0x80, v5, vm0, $0xb8;
	[tilespmem:$0x18180] =	vst v63  }
0x165: {  	s25 =	simm.s32 $0x1980  }
0x166: {  	[tilespmem:s25], [sflag:$0x1] =	stream.indirect_vreg.gather [hbm4b:s24+s2], $0x80, v5, vm0, $0xb8;
	[tilespmem:$0x18180] =	vst v63  }
0x167: {  	s25 =	simm.s32 $0x2180  }
0x168: {  	[tilespmem:s25], [sflag:$0x1] =	stream.indirect_vreg.gather [hbm4b:s4+s2], $0x80, v4, vm0, $0xb8;
	[tilespmem:$0x18180] =	vst v63  }
0x169: {  	s25 =	simm.s32 $0x2980  }
0x16a: {  	[tilespmem:s25], [sflag:$0x1] =	stream.indirect_vreg.gather [hbm4b:s21+s2], $0x80, v4, vm0, $0xb8;
	[tilespmem:$0x18180] =	vst v63  }
0x16b: {  	s25 =	simm.s32 $0x3180  }
0x16c: {  	[tilespmem:s25], [sflag:$0x1] =	stream.indirect_vreg.gather [hbm4b:s22+s2], $0x80, v4, vm0, $0xb8;
	[tilespmem:$0x18180] =	vst v63  }
0x16d: {  	s25 =	simm.s32 $0x3980  }
0x16e: {  	[tilespmem:s25], [sflag:$0x1] =	stream.indirect_vreg.gather [hbm4b:s24+s2], $0x80, v4, vm0, $0xb8;
	[tilespmem:$0x18180] =	vst v63  }
0x16f: {  	v4 =	vld [tilespmem:$0xD0];
	_ =	sdelay $0x4  }
0x170: {  	v5 =	vshll.u32 v4, $0x3  }
0x171: {  	v4 =	vand.u32 $0x7, v4;
	v5 =	vand.u32 $0xFFFFFFC0, v5  }
0x172: {  	v4 =	vor.u32 v4, v5  }
0x173: {  	v5 =	vperm.xlane v4, v1;
	_ =	sdelay $0x1  }
0x174: {  	v5 =	vadd.s32 v2, v5;
	_ =	sdelay $0x3  }
0x175: {  	s25 =	simm.s32 $0x4180  }
0x176: {  	[tilespmem:s25], [sflag:$0x1] =	stream.indirect_vreg.gather [hbm4b:s4+s2], $0x80, v5, vm0, $0xb8;
	[tilespmem:$0x18180] =	vst v63  }
0x177: {  	v4 =	vperm.xlane v4, v3;
	s25 =	simm.s32 $0x4980  }
0x178: {  	[tilespmem:s25], [sflag:$0x1] =	stream.indirect_vreg.gather [hbm4b:s21+s2], $0x80, v5, vm0, $0xb8;
	[tilespmem:$0x18180] =	vst v63  }
0x179: {  	v4 =	vadd.s32 v2, v4;
	s25 =	simm.s32 $0x5180  }
0x17a: {  	[tilespmem:s25], [sflag:$0x1] =	stream.indirect_vreg.gather [hbm4b:s22+s2], $0x80, v5, vm0, $0xb8;
	[tilespmem:$0x18180] =	vst v63  }
0x17b: {  	s25 =	simm.s32 $0x5980  }
0x17c: {  	[tilespmem:s25], [sflag:$0x1] =	stream.indirect_vreg.gather [hbm4b:s24+s2], $0x80, v5, vm0, $0xb8;
	[tilespmem:$0x18180] =	vst v63  }
0x17d: {  	s25 =	simm.s32 $0x6180  }
0x17e: {  	[tilespmem:s25], [sflag:$0x1] =	stream.indirect_vreg.gather [hbm4b:s4+s2], $0x80, v4, vm0, $0xb8;
	[tilespmem:$0x18180] =	vst v63  }
0x17f: {  	s25 =	simm.s32 $0x6980  }
0x180: {  	[tilespmem:s25], [sflag:$0x1] =	stream.indirect_vreg.gather [hbm4b:s21+s2], $0x80, v4, vm0, $0xb8;
	[tilespmem:$0x18180] =	vst v63  }
0x181: {  	s25 =	simm.s32 $0x7180  }
0x182: {  	[tilespmem:s25], [sflag:$0x1] =	stream.indirect_vreg.gather [hbm4b:s22+s2], $0x80, v4, vm0, $0xb8;
	[tilespmem:$0x18180] =	vst v63  }
0x183: {  	s25 =	simm.s32 $0x7980  }
0x184: {  	[tilespmem:s25], [sflag:$0x1] =	stream.indirect_vreg.gather [hbm4b:s24+s2], $0x80, v4, vm0, $0xb8;
	[tilespmem:$0x18180] =	vst v63  }
0x185: {  	_ =	swait.ge [sflag:s17], $0x8000  }
0x186: {  	[sflag:s17] =	ssyncset.done $0x0  }
0x187: {  	s0 =	rddreg [dreg:$0xf];
	[sflag:s17] =	ssyncadd.s32 $0xFFFF8000  }
0x188: {  	[hbm4b:s0+s2] =	stream.linear.scatter [tilespmem:s19], [sflag:$0x5], $0x8000, $0x38;
	[tilespmem:$0x18180] =	vst v63  }
0x189: {  	_ =	swait.ge [sflag:s18], $0x8000  }
0x18a: {  	[sflag:s18] =	ssyncset.done $0x0  }
0x18b: {  	[sflag:s18] =	ssyncadd.s32 $0xFFFF8000  }
0x18c: {  	v4 =	vld [tilespmem:$0xE0];
	_ =	sdelay $0x4  }
0x18d: {  	v5 =	vshll.u32 v4, $0x3  }
0x18e: {  	v4 =	vand.u32 $0x7, v4;
	v5 =	vand.u32 $0xFFFFFFC0, v5  }
0x18f: {  	v4 =	vor.u32 v4, v5  }
0x190: {  	v5 =	vperm.xlane v4, v1;
	_ =	sdelay $0x1  }
0x191: {  	v5 =	vadd.s32 v2, v5;
	_ =	sdelay $0x4  }
0x192: {  	[tilespmem:s19], [sflag:$0x2] =	stream.indirect_vreg.gather [hbm4b:s4+s2], $0x80, v5, vm0, $0xb8;
	[tilespmem:$0x18180] =	vst v63  }
0x193: {  	s25 =	simm.s32 $0x8980;
	v4 =	vperm.xlane v4, v3  }
0x194: {  	[tilespmem:s25], [sflag:$0x2] =	stream.indirect_vreg.gather [hbm4b:s21+s2], $0x80, v5, vm0, $0xb8;
	[tilespmem:$0x18180] =	vst v63  }
0x195: {  	v4 =	vadd.s32 v2, v4;
	s25 =	simm.s32 $0x9180  }
0x196: {  	[tilespmem:s25], [sflag:$0x2] =	stream.indirect_vreg.gather [hbm4b:s22+s2], $0x80, v5, vm0, $0xb8;
	[tilespmem:$0x18180] =	vst v63  }
0x197: {  	s25 =	simm.s32 $0x9980  }
0x198: {  	[tilespmem:s25], [sflag:$0x2] =	stream.indirect_vreg.gather [hbm4b:s24+s2], $0x80, v5, vm0, $0xb8;
	[tilespmem:$0x18180] =	vst v63  }
0x199: {  	s25 =	simm.s32 $0xA180  }
0x19a: {  	[tilespmem:s25], [sflag:$0x2] =	stream.indirect_vreg.gather [hbm4b:s4+s2], $0x80, v4, vm0, $0xb8;
	[tilespmem:$0x18180] =	vst v63  }
0x19b: {  	s25 =	simm.s32 $0xA980  }
0x19c: {  	[tilespmem:s25], [sflag:$0x2] =	stream.indirect_vreg.gather [hbm4b:s21+s2], $0x80, v4, vm0, $0xb8;
	[tilespmem:$0x18180] =	vst v63  }
0x19d: {  	s25 =	simm.s32 $0xB180  }
0x19e: {  	[tilespmem:s25], [sflag:$0x2] =	stream.indirect_vreg.gather [hbm4b:s22+s2], $0x80, v4, vm0, $0xb8;
	[tilespmem:$0x18180] =	vst v63  }
0x19f: {  	s25 =	simm.s32 $0xB980  }
0x1a0: {  	[tilespmem:s25], [sflag:$0x2] =	stream.indirect_vreg.gather [hbm4b:s24+s2], $0x80, v4, vm0, $0xb8;
	[tilespmem:$0x18180] =	vst v63  }
0x1a1: {  	v4 =	vld [tilespmem:$0xF0];
	_ =	sdelay $0x4  }
0x1a2: {  	v5 =	vshll.u32 v4, $0x3  }
0x1a3: {  	v4 =	vand.u32 $0x7, v4;
	v5 =	vand.u32 $0xFFFFFFC0, v5  }
0x1a4: {  	v4 =	vor.u32 v4, v5  }
0x1a5: {  	v5 =	vperm.xlane v4, v1;
	_ =	sdelay $0x1  }
0x1a6: {  	v5 =	vadd.s32 v2, v5;
	_ =	sdelay $0x3  }
0x1a7: {  	s25 =	simm.s32 $0xC180  }
0x1a8: {  	[tilespmem:s25], [sflag:$0x2] =	stream.indirect_vreg.gather [hbm4b:s4+s2], $0x80, v5, vm0, $0xb8;
	[tilespmem:$0x18180] =	vst v63  }
0x1a9: {  	v4 =	vperm.xlane v4, v3;
	s25 =	simm.s32 $0xC980  }
0x1aa: {  	[tilespmem:s25], [sflag:$0x2] =	stream.indirect_vreg.gather [hbm4b:s21+s2], $0x80, v5, vm0, $0xb8;
	[tilespmem:$0x18180] =	vst v63  }
0x1ab: {  	v4 =	vadd.s32 v2, v4;
	s25 =	simm.s32 $0xD180  }
0x1ac: {  	[tilespmem:s25], [sflag:$0x2] =	stream.indirect_vreg.gather [hbm4b:s22+s2], $0x80, v5, vm0, $0xb8;
	[tilespmem:$0x18180] =	vst v63  }
0x1ad: {  	s25 =	simm.s32 $0xD980  }
0x1ae: {  	[tilespmem:s25], [sflag:$0x2] =	stream.indirect_vreg.gather [hbm4b:s24+s2], $0x80, v5, vm0, $0xb8;
	[tilespmem:$0x18180] =	vst v63  }
0x1af: {  	s25 =	simm.s32 $0xE180  }
0x1b0: {  	[tilespmem:s25], [sflag:$0x2] =	stream.indirect_vreg.gather [hbm4b:s4+s2], $0x80, v4, vm0, $0xb8;
	[tilespmem:$0x18180] =	vst v63  }
0x1b1: {  	s25 =	simm.s32 $0xE980  }
0x1b2: {  	[tilespmem:s25], [sflag:$0x2] =	stream.indirect_vreg.gather [hbm4b:s21+s2], $0x80, v4, vm0, $0xb8;
	[tilespmem:$0x18180] =	vst v63  }
0x1b3: {  	s25 =	simm.s32 $0xF180  }
0x1b4: {  	[tilespmem:s25], [sflag:$0x2] =	stream.indirect_vreg.gather [hbm4b:s22+s2], $0x80, v4, vm0, $0xb8;
	[tilespmem:$0x18180] =	vst v63  }
0x1b5: {  	s21 =	simm.s32 $0xF980  }
0x1b6: {  	[tilespmem:s21], [sflag:$0x2] =	stream.indirect_vreg.gather [hbm4b:s24+s2], $0x80, v4, vm0, $0xb8;
	[tilespmem:$0x18180] =	vst v63  }
0x1b7: {  	_ =	swait.ge [sflag:s31], $0x8000  }
0x1b8: {  	[sflag:s31] =	ssyncset.done $0x0  }
0x1b9: {  	s24 =	simm.s32 $0x10180;
	s22 =	rddreg [dreg:$0x10];
	[sflag:s31] =	ssyncadd.s32 $0xFFFF8000  }
0x1ba: {  	[hbm4b:s22+s2] =	stream.linear.scatter [tilespmem:s24], [sflag:$0x6], $0x8000, $0x38;
	[tilespmem:$0x18180] =	vst v63  }
0x1bb: {  	_ =	swait.ge [sflag:s15], $0x8000  }
0x1bc: {  	[sflag:s15] =	ssyncset.done $0x0  }
0x1bd: {  	s25 =	rddreg [dreg:$0x11];
	[sflag:s15] =	ssyncadd.s32 $0xFFFF8000  }
0x1be: {  	[hbm4b:s25+s2] =	stream.linear.scatter [tilespmem:s23], [sflag:$0x4], $0x8000, $0x38;
	[tilespmem:$0x18180] =	vst v63  }
0x1bf: {  	_ =	swait.ge [sflag:s17], $0x8000  }
0x1c0: {  	[sflag:s17] =	ssyncset.done $0x0  }
0x1c1: {  	s31 =	rddreg [dreg:$0x12];
	[sflag:s17] =	ssyncadd.s32 $0xFFFF8000  }
0x1c2: {  	[hbm4b:s31+s2] =	stream.linear.scatter [tilespmem:s19], [sflag:$0x5], $0x8000, $0x38;
	[tilespmem:$0x18180] =	vst v63  }
0x1c3: {  	_ =	swait.ge [sflag:s30], $0x8000  }
0x1c4: {  	[sflag:s30] =	ssyncset.done $0x0  }
0x1c5: {  	[sflag:s30] =	ssyncadd.s32 $0xFFFF8000  }
0x1c6: {  	p0 =	sne.s32 s5, $0x1;
	_ =	swait.ge [sflag:s16], $0x8000  }
.Ltmp0:
0x1c7: {  	[sflag:s16] =	ssyncset.done $0x0;
	(pc) =	sbr.rel @p0 .LBB2_1-.Ltmp0, $4  }
0x1c8: {  	[sflag:s16] =	ssyncadd.s32 $0xFFFF8000  }
0x1c9: {  	_ =	swait.ge [sflag:s18], $0x8000  }
0x1ca: {  	[sflag:s18] =	ssyncset.done $0x0  }
0x1cb: {  	s5 =	sadd.s32 $0xFFFFFFFF, s5;
	[sflag:s18] =	ssyncadd.s32 $0xFFFF8000  }
0x1cc: {  	_ =	sfence.sel $0x180000  }
0x1cd: {  	[bflag:$0x0] =	sbarrier.arrive $0xFFFF  }
0x1ce: {  	_ =	strace $0x90000047  }
0x1cf: {  	s0 =	stileid.u32;
	[bflag:$0x2] =	sbarrier.arrive $0xFFFF  }
0x1d0: {  	p0 =	sne.s32 s0, $0x0;
	s0 =	rddreg [dreg:$0x7]  }
0x1d1: {  	s0 =	sadd.s32 @!p0 $0x100000, s0  }
0x1d2: {  	[sflag:s0] =	ssyncadd.tile.s32 @!p0 $0x1;
	_ =	shalt  }
.Lfunc_end2:
_tile_overlayer_lowered:
.L_overlay_start_2:
0x1d3: {  	(tag) =	ssettag $0x2  }
0x1d4: {  	s0 =	rddreg [dreg:$0x0];
	s2 =	stileid.u32  }
0x1d5: {  	s1 =	rddreg [dreg:$0x1];
	p0 =	sne.s32 s2, $0x0  }
0x1d6: {  	s3 =	rddreg [dreg:$0x2];
	[bflag:$0x3] =	sbarrier.arrive $0xFFFF;
	s2 =	simm.s32 @!p0 $0x1C07  }
0x1d7: {  	[timem:s3], [sflag:s2] =	dma.local @!p0 [hbm:s0], s1  }
0x1d8: {  	s0 =	simm.s32 @!p0 $0x7  }
0x1d9: {  	_ =	swait.ge @!p0 [sflag:s0], s1  }
0x1da: {  	s1 =	ssub.s32 @!p0 $0x0, s1;
	[sflag:s0] =	ssyncset.done @!p0 $0x0  }
0x1db: {  	[sflag:s0] =	ssyncadd.s32 @!p0 s1  }
0x1dc: {  	[bflag:$0x3] =	sbarrier.arrive $0xFFFF  }
0x1dd: {  	_ =	shalt  }

</sc_bundles>
